<compile_context>
chip_gen: v7x
topology: tpu7x:2x2x1
jax: 0.10.2.dev20260603
libtpu: 0.0.44.dev20260713+nightly
codegen_flags: <defaults>
</compile_context>

<pallas_src>
import functools

import jax
import jax.numpy as jnp
from jax import lax
from jax.experimental import pallas as pl
from jax.experimental.pallas import tpu as pltpu
from jax.experimental.pallas import tpu_sc as plsc

VOCAB_SIZE = 100000
D_MODEL = 128
BATCH = 16384
SEQ = 50

NC = 2
NS = 16
NW = NC * NS

COLS_W = BATCH // NW
CH = 128
S_BLK = COLS_W // CH
NCH = SEQ * S_BLK
NB = 4
NGRP = NCH // NB


def _gather_body(tokT_hbm, table_hbm, outP_hbm, idx_v, rows_v, gsem, wsem):
    c = lax.axis_index("c")
    s = lax.axis_index("s")
    wid = s * NC + c
    b0 = wid * COLS_W

    pltpu.sync_copy(tokT_hbm.at[:, pl.ds(b0, COLS_W)], idx_v)

    def wait_gather(bf):
        pltpu.make_async_copy(
            table_hbm.at[idx_v.at[0, pl.ds(0, CH)]], rows_v.at[bf], gsem.at[bf]
        ).wait()

    def wait_write(bf):
        pltpu.make_async_copy(
            rows_v.at[bf], outP_hbm.at[0, pl.ds(0, CH)], wsem.at[bf]
        ).wait()

    def start_gather(bf, j):
        sq = j // S_BLK
        bb = j % S_BLK
        idx = idx_v.at[sq, pl.ds(bb * CH, CH)]
        pltpu.async_copy(table_hbm.at[idx], rows_v.at[bf], gsem.at[bf])

    def start_write(bf, j):
        sq = j // S_BLK
        bb = j % S_BLK
        pltpu.async_copy(
            rows_v.at[bf], outP_hbm.at[sq, pl.ds(b0 + bb * CH, CH)], wsem.at[bf]
        )

    for bf in range(NB):
        start_gather(bf, bf)

    def group_step(g, carry):
        for bf in range(NB):
            j = g * NB + bf
            wait_gather(bf)
            start_write(bf, j)
        for bf in range(NB):
            wait_write(bf)
            start_gather(bf, (g + 1) * NB + bf)
        return carry

    lax.fori_loop(0, NGRP - 1, group_step, 0)

    for bf in range(NB):
        j = (NGRP - 1) * NB + bf
        wait_gather(bf)
        start_write(bf, j)
    for bf in range(NB):
        wait_write(bf)


@jax.jit
def _embed(tokT, emb_weight):
    mesh = plsc.VectorSubcoreMesh(core_axis_name="c", subcore_axis_name="s")
    k = functools.partial(
        pl.kernel,
        out_type=jax.ShapeDtypeStruct((SEQ, BATCH, D_MODEL), jnp.float32),
        mesh=mesh,
        scratch_types=[
            pltpu.VMEM((SEQ, COLS_W), jnp.int32),
            pltpu.VMEM((NB, CH, D_MODEL), jnp.float32),
            pltpu.SemaphoreType.DMA((NB,)),
            pltpu.SemaphoreType.DMA((NB,)),
        ],
    )(_gather_body)
    return k(tokT, emb_weight)


def kernel(toks, emb_weight):
    tokT = toks.astype(jnp.int32).T
    outP = _embed(tokT, emb_weight)
    return outP.transpose(1, 0, 2)

# --- scband reference (transcript-rebuilt; emitter-appended) ---
"""Pipeline reference for scband-program-tokenizer-4681514353136 (READ-ONLY COPY).

The authoritative reference and input builder live on the scoring server;
editing this copy changes nothing except your own understanding.
"""

import jax, jax.numpy as jnp
import numpy as np

VOCAB_SIZE = 100000  # len(DSL.OPS)=8 + vocab_extra=99992
D_MODEL = 128
BATCH = 16384
SEQ = 50

def setup_inputs(seed: int = 0) -> dict:
    key = jax.random.key(seed)
    k_tok, k_emb = jax.random.split(key)
    toks = jax.random.randint(k_tok, (BATCH, SEQ), 0, VOCAB_SIZE, dtype=jnp.int64 if jax.config.jax_enable_x64 else jnp.int32)
    emb_weight = jax.random.normal(k_emb, (VOCAB_SIZE, D_MODEL), dtype=jnp.float32)
    return {"toks": toks, "emb_weight": emb_weight}

def reference(toks, emb_weight):
    # nn.Embedding forward: row gather from the embedding table
    return jnp.take(emb_weight, toks, axis=0)

if __name__ == "__main__":
    import jax
    _d = setup_inputs()
    print(jax.jit(kernel)(*tuple(_d.values())))

</pallas_src>

<mosaic_0001>
#map = affine_map<(d0, d1) -> (0, 0)>
#map1 = affine_map<(d0, d1) -> (0, 0, 0)>
module attributes {stable_mosaic.version = 14 : i64} {
  func.func @_gather_body(%arg0: i32, %arg1: i32, %arg2: memref<50x16384xi32, #tpu.memory_space<hbm>>, %arg3: memref<100000x128xf32, #tpu.memory_space<hbm>>, %arg4: memref<50x16384x128xf32, #tpu.memory_space<hbm>>, %arg5: memref<50x512xi32, #tpu.memory_space<vmem>>, %arg6: memref<4x128x128xf32, #tpu.memory_space<vmem>>, %arg7: memref<4x!tpu.dma_semaphore, #tpu.memory_space<semaphore_mem>>, %arg8: memref<4x!tpu.dma_semaphore, #tpu.memory_space<semaphore_mem>>) attributes {dimension_semantics = [#tpu.dimension_semantics<core_parallel>, #tpu.dimension_semantics<subcore_parallel>], iteration_bounds = array<i64: 2, 16>, scalar_prefetch = 0 : i64, scratch_operands = 4 : i64, tpu.core_type = #tpu.core_type<sc_vector_subcore>, window_params = [{transform_indices = #map}, {transform_indices = #map}, {transform_indices = #map1}]} {
    %mul3A = arith.constant 2 : i32
    %mul3A_0 = arith.muli %arg1, %mul3A : i32
    %add3A = arith.addi %mul3A_0, %arg0 : i32
    %mul3A_1 = arith.constant 512 : i32
    %mul3A_2 = arith.muli %add3A, %mul3A_1 : i32
    "tpu.region"() ({
      %run_scoped3A = tpu.sem_alloc : memref<!tpu.dma_semaphore, #tpu.memory_space<semaphore_mem>>
      %dma_start3A_294 = arith.constant 0 : i32
      %dma_start3A_295 = tpu.memref_slice %arg2[%dma_start3A_294, %mul3A_2] : memref<50x16384xi32, #tpu.memory_space<hbm>> -> memref<50x512xi32, #tpu.memory_space<hbm>>
      %dma_start3A_296 = arith.constant 0 : i32
      %dma_start3A_297 = tpu.memref_slice %arg2[%dma_start3A_296, %mul3A_2] : memref<50x16384xi32, #tpu.memory_space<hbm>> -> memref<50x512xi32, #tpu.memory_space<hbm>>
      tpu.enqueue_dma source(%dma_start3A_297 : memref<50x512xi32, #tpu.memory_space<hbm>>) target(%arg5 : memref<50x512xi32, #tpu.memory_space<vmem>>) target_semaphore(%run_scoped3A : memref<!tpu.dma_semaphore, #tpu.memory_space<semaphore_mem>>)
      %dma_wait3A_298 = arith.constant 0 : i32
      %dma_wait3A_299 = tpu.memref_slice %arg2[%dma_wait3A_298, %mul3A_2] : memref<50x16384xi32, #tpu.memory_space<hbm>> -> memref<50x512xi32, #tpu.memory_space<hbm>>
      %dma_wait3A_300 = arith.constant 0 : i32
      %dma_wait3A_301 = tpu.memref_slice %arg2[%dma_wait3A_300, %mul3A_2] : memref<50x16384xi32, #tpu.memory_space<hbm>> -> memref<50x512xi32, #tpu.memory_space<hbm>>
      tpu.wait_dma2 semaphore(%run_scoped3A : memref<!tpu.dma_semaphore, #tpu.memory_space<semaphore_mem>>) src(%dma_wait3A_301 : memref<50x512xi32, #tpu.memory_space<hbm>>) dst(%arg5 : memref<50x512xi32, #tpu.memory_space<vmem>>)
      tpu.yield
    }) : () -> ()
    %dma_start3A = arith.constant 0 : i32
    %dma_start3A_3 = arith.constant 0 : i32
    %dma_start3A_4 = arith.constant 0 : i32
    %dma_start3A_5 = arith.constant 0 : i32
    %dma_start3A_6 = arith.constant 0 : i32
    %dma_start3A_7 = tpu.memref_slice %arg6[%dma_start3A_3, %dma_start3A_5, %dma_start3A_6] : memref<4x128x128xf32, #tpu.memory_space<vmem>> -> memref<1x128x128xf32, #tpu.memory_space<vmem>>
    %dma_start3A_8 = tpu.memref_squeeze %dma_start3A_7 : memref<1x128x128xf32, #tpu.memory_space<vmem>> -> memref<128x128xf32, #tpu.memory_space<vmem>>
    %dma_start3A_9 = arith.constant 0 : i32
    %dma_start3A_10 = tpu.memref_slice %arg5[%dma_start3A, %dma_start3A_9] : memref<50x512xi32, #tpu.memory_space<vmem>> -> memref<1x128xi32, #tpu.memory_space<vmem>>
    %dma_start3A_11 = tpu.memref_squeeze %dma_start3A_10 : memref<1x128xi32, #tpu.memory_space<vmem>> -> memref<128xi32, #tpu.memory_space<vmem>>
    %dma_start3A_12 = arith.constant 0 : i32
    %dma_start3A_13 = arith.constant 0 : i32
    %dma_start3A_14 = tpu.memref_slice %arg3[%dma_start3A_12, %dma_start3A_13] : memref<100000x128xf32, #tpu.memory_space<hbm>> -> memref<100000x128xf32, #tpu.memory_space<hbm>>
    %dma_start3A_15 = tpu.memref_slice %arg7[%dma_start3A_4] : memref<4x!tpu.dma_semaphore, #tpu.memory_space<semaphore_mem>> -> memref<1x!tpu.dma_semaphore, #tpu.memory_space<semaphore_mem>>
    %dma_start3A_16 = tpu.memref_squeeze %dma_start3A_15 : memref<1x!tpu.dma_semaphore, #tpu.memory_space<semaphore_mem>> -> memref<!tpu.dma_semaphore, #tpu.memory_space<semaphore_mem>>
    tpu.enqueue_indirect_dma source(%dma_start3A_14 : memref<100000x128xf32, #tpu.memory_space<hbm>>) target(%dma_start3A_8 : memref<128x128xf32, #tpu.memory_space<vmem>>) offsets(%dma_start3A_11 : memref<128xi32, #tpu.memory_space<vmem>>) semaphore(%dma_start3A_16 : memref<!tpu.dma_semaphore, #tpu.memory_space<semaphore_mem>>)
    %dma_start3A_17 = arith.constant 0 : i32
    %dma_start3A_18 = arith.constant 1 : i32
    %dma_start3A_19 = arith.constant 1 : i32
    %dma_start3A_20 = arith.constant 0 : i32
    %dma_start3A_21 = arith.constant 0 : i32
    %dma_start3A_22 = tpu.memref_slice %arg6[%dma_start3A_18, %dma_start3A_20, %dma_start3A_21] : memref<4x128x128xf32, #tpu.memory_space<vmem>> -> memref<1x128x128xf32, #tpu.memory_space<vmem>>
    %dma_start3A_23 = tpu.memref_squeeze %dma_start3A_22 : memref<1x128x128xf32, #tpu.memory_space<vmem>> -> memref<128x128xf32, #tpu.memory_space<vmem>>
    %dma_start3A_24 = arith.constant 128 : i32
    %dma_start3A_25 = tpu.memref_slice %arg5[%dma_start3A_17, %dma_start3A_24] : memref<50x512xi32, #tpu.memory_space<vmem>> -> memref<1x128xi32, #tpu.memory_space<vmem>>
    %dma_start3A_26 = tpu.memref_squeeze %dma_start3A_25 : memref<1x128xi32, #tpu.memory_space<vmem>> -> memref<128xi32, #tpu.memory_space<vmem>>
    %dma_start3A_27 = arith.constant 0 : i32
    %dma_start3A_28 = arith.constant 0 : i32
    %dma_start3A_29 = tpu.memref_slice %arg3[%dma_start3A_27, %dma_start3A_28] : memref<100000x128xf32, #tpu.memory_space<hbm>> -> memref<100000x128xf32, #tpu.memory_space<hbm>>
    %dma_start3A_30 = tpu.memref_slice %arg7[%dma_start3A_19] : memref<4x!tpu.dma_semaphore, #tpu.memory_space<semaphore_mem>> -> memref<1x!tpu.dma_semaphore, #tpu.memory_space<semaphore_mem>>
    %dma_start3A_31 = tpu.memref_squeeze %dma_start3A_30 : memref<1x!tpu.dma_semaphore, #tpu.memory_space<semaphore_mem>> -> memref<!tpu.dma_semaphore, #tpu.memory_space<semaphore_mem>>
    tpu.enqueue_indirect_dma source(%dma_start3A_29 : memref<100000x128xf32, #tpu.memory_space<hbm>>) target(%dma_start3A_23 : memref<128x128xf32, #tpu.memory_space<vmem>>) offsets(%dma_start3A_26 : memref<128xi32, #tpu.memory_space<vmem>>) semaphore(%dma_start3A_31 : memref<!tpu.dma_semaphore, #tpu.memory_space<semaphore_mem>>)
    %dma_start3A_32 = arith.constant 0 : i32
    %dma_start3A_33 = arith.constant 2 : i32
    %dma_start3A_34 = arith.constant 2 : i32
    %dma_start3A_35 = arith.constant 0 : i32
    %dma_start3A_36 = arith.constant 0 : i32
    %dma_start3A_37 = tpu.memref_slice %arg6[%dma_start3A_33, %dma_start3A_35, %dma_start3A_36] : memref<4x128x128xf32, #tpu.memory_space<vmem>> -> memref<1x128x128xf32, #tpu.memory_space<vmem>>
    %dma_start3A_38 = tpu.memref_squeeze %dma_start3A_37 : memref<1x128x128xf32, #tpu.memory_space<vmem>> -> memref<128x128xf32, #tpu.memory_space<vmem>>
    %dma_start3A_39 = arith.constant 256 : i32
    %dma_start3A_40 = tpu.memref_slice %arg5[%dma_start3A_32, %dma_start3A_39] : memref<50x512xi32, #tpu.memory_space<vmem>> -> memref<1x128xi32, #tpu.memory_space<vmem>>
    %dma_start3A_41 = tpu.memref_squeeze %dma_start3A_40 : memref<1x128xi32, #tpu.memory_space<vmem>> -> memref<128xi32, #tpu.memory_space<vmem>>
    %dma_start3A_42 = arith.constant 0 : i32
    %dma_start3A_43 = arith.constant 0 : i32
    %dma_start3A_44 = tpu.memref_slice %arg3[%dma_start3A_42, %dma_start3A_43] : memref<100000x128xf32, #tpu.memory_space<hbm>> -> memref<100000x128xf32, #tpu.memory_space<hbm>>
    %dma_start3A_45 = tpu.memref_slice %arg7[%dma_start3A_34] : memref<4x!tpu.dma_semaphore, #tpu.memory_space<semaphore_mem>> -> memref<1x!tpu.dma_semaphore, #tpu.memory_space<semaphore_mem>>
    %dma_start3A_46 = tpu.memref_squeeze %dma_start3A_45 : memref<1x!tpu.dma_semaphore, #tpu.memory_space<semaphore_mem>> -> memref<!tpu.dma_semaphore, #tpu.memory_space<semaphore_mem>>
    tpu.enqueue_indirect_dma source(%dma_start3A_44 : memref<100000x128xf32, #tpu.memory_space<hbm>>) target(%dma_start3A_38 : memref<128x128xf32, #tpu.memory_space<vmem>>) offsets(%dma_start3A_41 : memref<128xi32, #tpu.memory_space<vmem>>) semaphore(%dma_start3A_46 : memref<!tpu.dma_semaphore, #tpu.memory_space<semaphore_mem>>)
    %dma_start3A_47 = arith.constant 0 : i32
    %dma_start3A_48 = arith.constant 3 : i32
    %dma_start3A_49 = arith.constant 3 : i32
    %dma_start3A_50 = arith.constant 0 : i32
    %dma_start3A_51 = arith.constant 0 : i32
    %dma_start3A_52 = tpu.memref_slice %arg6[%dma_start3A_48, %dma_start3A_50, %dma_start3A_51] : memref<4x128x128xf32, #tpu.memory_space<vmem>> -> memref<1x128x128xf32, #tpu.memory_space<vmem>>
    %dma_start3A_53 = tpu.memref_squeeze %dma_start3A_52 : memref<1x128x128xf32, #tpu.memory_space<vmem>> -> memref<128x128xf32, #tpu.memory_space<vmem>>
    %dma_start3A_54 = arith.constant 384 : i32
    %dma_start3A_55 = tpu.memref_slice %arg5[%dma_start3A_47, %dma_start3A_54] : memref<50x512xi32, #tpu.memory_space<vmem>> -> memref<1x128xi32, #tpu.memory_space<vmem>>
    %dma_start3A_56 = tpu.memref_squeeze %dma_start3A_55 : memref<1x128xi32, #tpu.memory_space<vmem>> -> memref<128xi32, #tpu.memory_space<vmem>>
    %dma_start3A_57 = arith.constant 0 : i32
    %dma_start3A_58 = arith.constant 0 : i32
    %dma_start3A_59 = tpu.memref_slice %arg3[%dma_start3A_57, %dma_start3A_58] : memref<100000x128xf32, #tpu.memory_space<hbm>> -> memref<100000x128xf32, #tpu.memory_space<hbm>>
    %dma_start3A_60 = tpu.memref_slice %arg7[%dma_start3A_49] : memref<4x!tpu.dma_semaphore, #tpu.memory_space<semaphore_mem>> -> memref<1x!tpu.dma_semaphore, #tpu.memory_space<semaphore_mem>>
    %dma_start3A_61 = tpu.memref_squeeze %dma_start3A_60 : memref<1x!tpu.dma_semaphore, #tpu.memory_space<semaphore_mem>> -> memref<!tpu.dma_semaphore, #tpu.memory_space<semaphore_mem>>
    tpu.enqueue_indirect_dma source(%dma_start3A_59 : memref<100000x128xf32, #tpu.memory_space<hbm>>) target(%dma_start3A_53 : memref<128x128xf32, #tpu.memory_space<vmem>>) offsets(%dma_start3A_56 : memref<128xi32, #tpu.memory_space<vmem>>) semaphore(%dma_start3A_61 : memref<!tpu.dma_semaphore, #tpu.memory_space<semaphore_mem>>)
    %scan3A = arith.constant 0 : i32
    %scan3A_62 = arith.constant 0 : i32
    %scan3A_63 = arith.constant 49 : i32
    %scan3A_64 = arith.addi %scan3A_62, %scan3A_63 : i32
    %scan3A_65 = arith.constant 1 : i32
    scf.for %scan3A_294 = %scan3A_62 to %scan3A_64 step %scan3A_65  : i32 {
      %mul3A_295 = arith.constant 4 : i32
      %mul3A_296 = arith.muli %scan3A_294, %mul3A_295 : i32
      %add3A_297 = arith.constant 0 : i32
      %add3A_298 = arith.addi %mul3A_296, %add3A_297 : i32
      %dma_wait3A_299 = arith.constant 0 : i32
      %dma_wait3A_300 = arith.constant 0 : i32
      %dma_wait3A_301 = arith.constant 0 : i32
      %dma_wait3A_302 = arith.constant 0 : i32
      %dma_wait3A_303 = arith.constant 0 : i32
      %dma_wait3A_304 = tpu.memref_slice %arg6[%dma_wait3A_300, %dma_wait3A_302, %dma_wait3A_303] : memref<4x128x128xf32, #tpu.memory_space<vmem>> -> memref<1x128x128xf32, #tpu.memory_space<vmem>>
      %dma_wait3A_305 = tpu.memref_squeeze %dma_wait3A_304 : memref<1x128x128xf32, #tpu.memory_space<vmem>> -> memref<128x128xf32, #tpu.memory_space<vmem>>
      %dma_wait3A_306 = arith.constant 0 : i32
      %dma_wait3A_307 = tpu.memref_slice %arg5[%dma_wait3A_299, %dma_wait3A_306] : memref<50x512xi32, #tpu.memory_space<vmem>> -> memref<1x128xi32, #tpu.memory_space<vmem>>
      %dma_wait3A_308 = tpu.memref_squeeze %dma_wait3A_307 : memref<1x128xi32, #tpu.memory_space<vmem>> -> memref<128xi32, #tpu.memory_space<vmem>>
      %dma_wait3A_309 = arith.constant 0 : i32
      %dma_wait3A_310 = arith.constant 0 : i32
      %dma_wait3A_311 = tpu.memref_slice %arg3[%dma_wait3A_309, %dma_wait3A_310] : memref<100000x128xf32, #tpu.memory_space<hbm>> -> memref<100000x128xf32, #tpu.memory_space<hbm>>
      %dma_wait3A_312 = tpu.memref_slice %arg7[%dma_wait3A_301] : memref<4x!tpu.dma_semaphore, #tpu.memory_space<semaphore_mem>> -> memref<1x!tpu.dma_semaphore, #tpu.memory_space<semaphore_mem>>
      %dma_wait3A_313 = tpu.memref_squeeze %dma_wait3A_312 : memref<1x!tpu.dma_semaphore, #tpu.memory_space<semaphore_mem>> -> memref<!tpu.dma_semaphore, #tpu.memory_space<semaphore_mem>>
      tpu.wait_indirect_dma semaphore(%dma_wait3A_313 : memref<!tpu.dma_semaphore, #tpu.memory_space<semaphore_mem>>) src(%dma_wait3A_311 : memref<100000x128xf32, #tpu.memory_space<hbm>>) dst(%dma_wait3A_305 : memref<128x128xf32, #tpu.memory_space<vmem>>)
      %jit3A = arith.constant 4 : i32
      %div3A = arith.divsi %add3A_298, %jit3A : i32
      %sign3A = arith.constant 0 : i32
      %sign3A_314 = arith.cmpi sgt, %add3A_298, %sign3A : i32
      %sign3A_315 = arith.extui %sign3A_314 : i1 to i32
      %sign3A_316 = arith.constant 0 : i32
      %sign3A_317 = arith.cmpi slt, %add3A_298, %sign3A_316 : i32
      %sign3A_318 = arith.extui %sign3A_317 : i1 to i32
      %sign3A_319 = arith.subi %sign3A_315, %sign3A_318 : i32
      %sign3A_320 = arith.constant 0 : i32
      %sign3A_321 = arith.cmpi sgt, %jit3A, %sign3A_320 : i32
      %sign3A_322 = arith.extui %sign3A_321 : i1 to i32
      %sign3A_323 = arith.constant 0 : i32
      %sign3A_324 = arith.cmpi slt, %jit3A, %sign3A_323 : i32
      %sign3A_325 = arith.extui %sign3A_324 : i1 to i32
      %sign3A_326 = arith.subi %sign3A_322, %sign3A_325 : i32
      %ne3A = arith.cmpi ne, %sign3A_319, %sign3A_326 : i32
      %rem3A = arith.remsi %add3A_298, %jit3A : i32
      %ne3A_327 = arith.constant 0 : i32
      %ne3A_328 = arith.cmpi ne, %rem3A, %ne3A_327 : i32
      %and3A = arith.andi %ne3A, %ne3A_328 : i1
      %sub3A = arith.constant 1 : i32
      %sub3A_329 = arith.subi %div3A, %sub3A : i32
      %select_n3A = arith.select %and3A, %sub3A_329, %div3A : i32
      %jit3A_330 = arith.constant 4 : i32
      %eq3A = arith.constant 0 : i32
      %eq3A_331 = arith.cmpi eq, %jit3A_330, %eq3A : i32
      %jit3A_332 = arith.constant 1 : i32
      %select_n3A_333 = arith.select %eq3A_331, %jit3A_332, %jit3A_330 : i32
      %rem3A_334 = arith.remsi %add3A_298, %select_n3A_333 : i32
      %ne3A_335 = arith.constant 0 : i32
      %ne3A_336 = arith.cmpi ne, %rem3A_334, %ne3A_335 : i32
      %lt3A = arith.constant 0 : i32
      %lt3A_337 = arith.cmpi slt, %rem3A_334, %lt3A : i32
      %lt3A_338 = arith.constant 0 : i32
      %lt3A_339 = arith.cmpi slt, %select_n3A_333, %lt3A_338 : i32
      %ne3A_340 = arith.xori %lt3A_337, %lt3A_339 : i1
      %and3A_341 = arith.andi %ne3A_340, %ne3A_336 : i1
      %add3A_342 = arith.addi %rem3A_334, %select_n3A_333 : i32
      %select_n3A_343 = arith.select %and3A_341, %add3A_342, %rem3A_334 : i32
      %mul3A_344 = arith.constant 128 : i32
      %mul3A_345 = arith.muli %select_n3A_343, %mul3A_344 : i32
      %add3A_346 = arith.addi %mul3A_2, %mul3A_345 : i32
      %dma_start3A_347 = arith.constant 0 : i32
      %dma_start3A_348 = arith.constant 0 : i32
      %dma_start3A_349 = arith.constant 0 : i32
      %dma_start3A_350 = arith.constant 0 : i32
      %dma_start3A_351 = tpu.memref_slice %arg6[%dma_start3A_347, %dma_start3A_349, %dma_start3A_350] : memref<4x128x128xf32, #tpu.memory_space<vmem>> -> memref<1x128x128xf32, #tpu.memory_space<vmem>>
      %dma_start3A_352 = tpu.memref_squeeze %dma_start3A_351 : memref<1x128x128xf32, #tpu.memory_space<vmem>> -> memref<128x128xf32, #tpu.memory_space<vmem>>
      %dma_start3A_353 = arith.constant 0 : i32
      %dma_start3A_354 = tpu.memref_slice %arg4[%select_n3A, %add3A_346, %dma_start3A_353] : memref<50x16384x128xf32, #tpu.memory_space<hbm>> -> memref<1x128x128xf32, #tpu.memory_space<hbm>>
      %dma_start3A_355 = tpu.memref_squeeze %dma_start3A_354 : memref<1x128x128xf32, #tpu.memory_space<hbm>> -> memref<128x128xf32, #tpu.memory_space<hbm>>
      %dma_start3A_356 = tpu.memref_slice %arg8[%dma_start3A_348] : memref<4x!tpu.dma_semaphore, #tpu.memory_space<semaphore_mem>> -> memref<1x!tpu.dma_semaphore, #tpu.memory_space<semaphore_mem>>
      %dma_start3A_357 = tpu.memref_squeeze %dma_start3A_356 : memref<1x!tpu.dma_semaphore, #tpu.memory_space<semaphore_mem>> -> memref<!tpu.dma_semaphore, #tpu.memory_space<semaphore_mem>>
      %dma_start3A_358 = arith.constant 0 : i32
      %dma_start3A_359 = tpu.memref_slice %arg4[%select_n3A, %add3A_346, %dma_start3A_358] : memref<50x16384x128xf32, #tpu.memory_space<hbm>> -> memref<1x128x128xf32, #tpu.memory_space<hbm>>
      %dma_start3A_360 = tpu.memref_squeeze %dma_start3A_359 : memref<1x128x128xf32, #tpu.memory_space<hbm>> -> memref<128x128xf32, #tpu.memory_space<hbm>>
      %dma_start3A_361 = arith.constant 0 : i32
      %dma_start3A_362 = arith.constant 0 : i32
      %dma_start3A_363 = tpu.memref_slice %arg6[%dma_start3A_347, %dma_start3A_361, %dma_start3A_362] : memref<4x128x128xf32, #tpu.memory_space<vmem>> -> memref<1x128x128xf32, #tpu.memory_space<vmem>>
      %dma_start3A_364 = tpu.memref_squeeze %dma_start3A_363 : memref<1x128x128xf32, #tpu.memory_space<vmem>> -> memref<128x128xf32, #tpu.memory_space<vmem>>
      tpu.enqueue_dma source(%dma_start3A_364 : memref<128x128xf32, #tpu.memory_space<vmem>>) target(%dma_start3A_360 : memref<128x128xf32, #tpu.memory_space<hbm>>) target_semaphore(%dma_start3A_357 : memref<!tpu.dma_semaphore, #tpu.memory_space<semaphore_mem>>)
      %mul3A_365 = arith.constant 4 : i32
      %mul3A_366 = arith.muli %scan3A_294, %mul3A_365 : i32
      %add3A_367 = arith.constant 1 : i32
      %add3A_368 = arith.addi %mul3A_366, %add3A_367 : i32
      %dma_wait3A_369 = arith.constant 0 : i32
      %dma_wait3A_370 = arith.constant 1 : i32
      %dma_wait3A_371 = arith.constant 1 : i32
      %dma_wait3A_372 = arith.constant 0 : i32
      %dma_wait3A_373 = arith.constant 0 : i32
      %dma_wait3A_374 = tpu.memref_slice %arg6[%dma_wait3A_370, %dma_wait3A_372, %dma_wait3A_373] : memref<4x128x128xf32, #tpu.memory_space<vmem>> -> memref<1x128x128xf32, #tpu.memory_space<vmem>>
      %dma_wait3A_375 = tpu.memref_squeeze %dma_wait3A_374 : memref<1x128x128xf32, #tpu.memory_space<vmem>> -> memref<128x128xf32, #tpu.memory_space<vmem>>
      %dma_wait3A_376 = arith.constant 0 : i32
      %dma_wait3A_377 = tpu.memref_slice %arg5[%dma_wait3A_369, %dma_wait3A_376] : memref<50x512xi32, #tpu.memory_space<vmem>> -> memref<1x128xi32, #tpu.memory_space<vmem>>
      %dma_wait3A_378 = tpu.memref_squeeze %dma_wait3A_377 : memref<1x128xi32, #tpu.memory_space<vmem>> -> memref<128xi32, #tpu.memory_space<vmem>>
      %dma_wait3A_379 = arith.constant 0 : i32
      %dma_wait3A_380 = arith.constant 0 : i32
      %dma_wait3A_381 = tpu.memref_slice %arg3[%dma_wait3A_379, %dma_wait3A_380] : memref<100000x128xf32, #tpu.memory_space<hbm>> -> memref<100000x128xf32, #tpu.memory_space<hbm>>
      %dma_wait3A_382 = tpu.memref_slice %arg7[%dma_wait3A_371] : memref<4x!tpu.dma_semaphore, #tpu.memory_space<semaphore_mem>> -> memref<1x!tpu.dma_semaphore, #tpu.memory_space<semaphore_mem>>
      %dma_wait3A_383 = tpu.memref_squeeze %dma_wait3A_382 : memref<1x!tpu.dma_semaphore, #tpu.memory_space<semaphore_mem>> -> memref<!tpu.dma_semaphore, #tpu.memory_space<semaphore_mem>>
      tpu.wait_indirect_dma semaphore(%dma_wait3A_383 : memref<!tpu.dma_semaphore, #tpu.memory_space<semaphore_mem>>) src(%dma_wait3A_381 : memref<100000x128xf32, #tpu.memory_space<hbm>>) dst(%dma_wait3A_375 : memref<128x128xf32, #tpu.memory_space<vmem>>)
      %jit3A_384 = arith.constant 4 : i32
      %div3A_385 = arith.divsi %add3A_368, %jit3A_384 : i32
      %sign3A_386 = arith.constant 0 : i32
      %sign3A_387 = arith.cmpi sgt, %add3A_368, %sign3A_386 : i32
      %sign3A_388 = arith.extui %sign3A_387 : i1 to i32
      %sign3A_389 = arith.constant 0 : i32
      %sign3A_390 = arith.cmpi slt, %add3A_368, %sign3A_389 : i32
      %sign3A_391 = arith.extui %sign3A_390 : i1 to i32
      %sign3A_392 = arith.subi %sign3A_388, %sign3A_391 : i32
      %sign3A_393 = arith.constant 0 : i32
      %sign3A_394 = arith.cmpi sgt, %jit3A_384, %sign3A_393 : i32
      %sign3A_395 = arith.extui %sign3A_394 : i1 to i32
      %sign3A_396 = arith.constant 0 : i32
      %sign3A_397 = arith.cmpi slt, %jit3A_384, %sign3A_396 : i32
      %sign3A_398 = arith.extui %sign3A_397 : i1 to i32
      %sign3A_399 = arith.subi %sign3A_395, %sign3A_398 : i32
      %ne3A_400 = arith.cmpi ne, %sign3A_392, %sign3A_399 : i32
      %rem3A_401 = arith.remsi %add3A_368, %jit3A_384 : i32
      %ne3A_402 = arith.constant 0 : i32
      %ne3A_403 = arith.cmpi ne, %rem3A_401, %ne3A_402 : i32
      %and3A_404 = arith.andi %ne3A_400, %ne3A_403 : i1
      %sub3A_405 = arith.constant 1 : i32
      %sub3A_406 = arith.subi %div3A_385, %sub3A_405 : i32
      %select_n3A_407 = arith.select %and3A_404, %sub3A_406, %div3A_385 : i32
      %jit3A_408 = arith.constant 4 : i32
      %eq3A_409 = arith.constant 0 : i32
      %eq3A_410 = arith.cmpi eq, %jit3A_408, %eq3A_409 : i32
      %jit3A_411 = arith.constant 1 : i32
      %select_n3A_412 = arith.select %eq3A_410, %jit3A_411, %jit3A_408 : i32
      %rem3A_413 = arith.remsi %add3A_368, %select_n3A_412 : i32
      %ne3A_414 = arith.constant 0 : i32
      %ne3A_415 = arith.cmpi ne, %rem3A_413, %ne3A_414 : i32
      %lt3A_416 = arith.constant 0 : i32
      %lt3A_417 = arith.cmpi slt, %rem3A_413, %lt3A_416 : i32
      %lt3A_418 = arith.constant 0 : i32
      %lt3A_419 = arith.cmpi slt, %select_n3A_412, %lt3A_418 : i32
      %ne3A_420 = arith.xori %lt3A_417, %lt3A_419 : i1
      %and3A_421 = arith.andi %ne3A_420, %ne3A_415 : i1
      %add3A_422 = arith.addi %rem3A_413, %select_n3A_412 : i32
      %select_n3A_423 = arith.select %and3A_421, %add3A_422, %rem3A_413 : i32
      %mul3A_424 = arith.constant 128 : i32
      %mul3A_425 = arith.muli %select_n3A_423, %mul3A_424 : i32
      %add3A_426 = arith.addi %mul3A_2, %mul3A_425 : i32
      %dma_start3A_427 = arith.constant 1 : i32
      %dma_start3A_428 = arith.constant 1 : i32
      %dma_start3A_429 = arith.constant 0 : i32
      %dma_start3A_430 = arith.constant 0 : i32
      %dma_start3A_431 = tpu.memref_slice %arg6[%dma_start3A_427, %dma_start3A_429, %dma_start3A_430] : memref<4x128x128xf32, #tpu.memory_space<vmem>> -> memref<1x128x128xf32, #tpu.memory_space<vmem>>
      %dma_start3A_432 = tpu.memref_squeeze %dma_start3A_431 : memref<1x128x128xf32, #tpu.memory_space<vmem>> -> memref<128x128xf32, #tpu.memory_space<vmem>>
      %dma_start3A_433 = arith.constant 0 : i32
      %dma_start3A_434 = tpu.memref_slice %arg4[%select_n3A_407, %add3A_426, %dma_start3A_433] : memref<50x16384x128xf32, #tpu.memory_space<hbm>> -> memref<1x128x128xf32, #tpu.memory_space<hbm>>
      %dma_start3A_435 = tpu.memref_squeeze %dma_start3A_434 : memref<1x128x128xf32, #tpu.memory_space<hbm>> -> memref<128x128xf32, #tpu.memory_space<hbm>>
      %dma_start3A_436 = tpu.memref_slice %arg8[%dma_start3A_428] : memref<4x!tpu.dma_semaphore, #tpu.memory_space<semaphore_mem>> -> memref<1x!tpu.dma_semaphore, #tpu.memory_space<semaphore_mem>>
      %dma_start3A_437 = tpu.memref_squeeze %dma_start3A_436 : memref<1x!tpu.dma_semaphore, #tpu.memory_space<semaphore_mem>> -> memref<!tpu.dma_semaphore, #tpu.memory_space<semaphore_mem>>
      %dma_start3A_438 = arith.constant 0 : i32
      %dma_start3A_439 = tpu.memref_slice %arg4[%select_n3A_407, %add3A_426, %dma_start3A_438] : memref<50x16384x128xf32, #tpu.memory_space<hbm>> -> memref<1x128x128xf32, #tpu.memory_space<hbm>>
      %dma_start3A_440 = tpu.memref_squeeze %dma_start3A_439 : memref<1x128x128xf32, #tpu.memory_space<hbm>> -> memref<128x128xf32, #tpu.memory_space<hbm>>
      %dma_start3A_441 = arith.constant 0 : i32
      %dma_start3A_442 = arith.constant 0 : i32
      %dma_start3A_443 = tpu.memref_slice %arg6[%dma_start3A_427, %dma_start3A_441, %dma_start3A_442] : memref<4x128x128xf32, #tpu.memory_space<vmem>> -> memref<1x128x128xf32, #tpu.memory_space<vmem>>
      %dma_start3A_444 = tpu.memref_squeeze %dma_start3A_443 : memref<1x128x128xf32, #tpu.memory_space<vmem>> -> memref<128x128xf32, #tpu.memory_space<vmem>>
      tpu.enqueue_dma source(%dma_start3A_444 : memref<128x128xf32, #tpu.memory_space<vmem>>) target(%dma_start3A_440 : memref<128x128xf32, #tpu.memory_space<hbm>>) target_semaphore(%dma_start3A_437 : memref<!tpu.dma_semaphore, #tpu.memory_space<semaphore_mem>>)
      %mul3A_445 = arith.constant 4 : i32
      %mul3A_446 = arith.muli %scan3A_294, %mul3A_445 : i32
      %add3A_447 = arith.constant 2 : i32
      %add3A_448 = arith.addi %mul3A_446, %add3A_447 : i32
      %dma_wait3A_449 = arith.constant 0 : i32
      %dma_wait3A_450 = arith.constant 2 : i32
      %dma_wait3A_451 = arith.constant 2 : i32
      %dma_wait3A_452 = arith.constant 0 : i32
      %dma_wait3A_453 = arith.constant 0 : i32
      %dma_wait3A_454 = tpu.memref_slice %arg6[%dma_wait3A_450, %dma_wait3A_452, %dma_wait3A_453] : memref<4x128x128xf32, #tpu.memory_space<vmem>> -> memref<1x128x128xf32, #tpu.memory_space<vmem>>
      %dma_wait3A_455 = tpu.memref_squeeze %dma_wait3A_454 : memref<1x128x128xf32, #tpu.memory_space<vmem>> -> memref<128x128xf32, #tpu.memory_space<vmem>>
      %dma_wait3A_456 = arith.constant 0 : i32
      %dma_wait3A_457 = tpu.memref_slice %arg5[%dma_wait3A_449, %dma_wait3A_456] : memref<50x512xi32, #tpu.memory_space<vmem>> -> memref<1x128xi32, #tpu.memory_space<vmem>>
      %dma_wait3A_458 = tpu.memref_squeeze %dma_wait3A_457 : memref<1x128xi32, #tpu.memory_space<vmem>> -> memref<128xi32, #tpu.memory_space<vmem>>
      %dma_wait3A_459 = arith.constant 0 : i32
      %dma_wait3A_460 = arith.constant 0 : i32
      %dma_wait3A_461 = tpu.memref_slice %arg3[%dma_wait3A_459, %dma_wait3A_460] : memref<100000x128xf32, #tpu.memory_space<hbm>> -> memref<100000x128xf32, #tpu.memory_space<hbm>>
      %dma_wait3A_462 = tpu.memref_slice %arg7[%dma_wait3A_451] : memref<4x!tpu.dma_semaphore, #tpu.memory_space<semaphore_mem>> -> memref<1x!tpu.dma_semaphore, #tpu.memory_space<semaphore_mem>>
      %dma_wait3A_463 = tpu.memref_squeeze %dma_wait3A_462 : memref<1x!tpu.dma_semaphore, #tpu.memory_space<semaphore_mem>> -> memref<!tpu.dma_semaphore, #tpu.memory_space<semaphore_mem>>
      tpu.wait_indirect_dma semaphore(%dma_wait3A_463 : memref<!tpu.dma_semaphore, #tpu.memory_space<semaphore_mem>>) src(%dma_wait3A_461 : memref<100000x128xf32, #tpu.memory_space<hbm>>) dst(%dma_wait3A_455 : memref<128x128xf32, #tpu.memory_space<vmem>>)
      %jit3A_464 = arith.constant 4 : i32
      %div3A_465 = arith.divsi %add3A_448, %jit3A_464 : i32
      %sign3A_466 = arith.constant 0 : i32
      %sign3A_467 = arith.cmpi sgt, %add3A_448, %sign3A_466 : i32
      %sign3A_468 = arith.extui %sign3A_467 : i1 to i32
      %sign3A_469 = arith.constant 0 : i32
      %sign3A_470 = arith.cmpi slt, %add3A_448, %sign3A_469 : i32
      %sign3A_471 = arith.extui %sign3A_470 : i1 to i32
      %sign3A_472 = arith.subi %sign3A_468, %sign3A_471 : i32
      %sign3A_473 = arith.constant 0 : i32
      %sign3A_474 = arith.cmpi sgt, %jit3A_464, %sign3A_473 : i32
      %sign3A_475 = arith.extui %sign3A_474 : i1 to i32
      %sign3A_476 = arith.constant 0 : i32
      %sign3A_477 = arith.cmpi slt, %jit3A_464, %sign3A_476 : i32
      %sign3A_478 = arith.extui %sign3A_477 : i1 to i32
      %sign3A_479 = arith.subi %sign3A_475, %sign3A_478 : i32
      %ne3A_480 = arith.cmpi ne, %sign3A_472, %sign3A_479 : i32
      %rem3A_481 = arith.remsi %add3A_448, %jit3A_464 : i32
      %ne3A_482 = arith.constant 0 : i32
      %ne3A_483 = arith.cmpi ne, %rem3A_481, %ne3A_482 : i32
      %and3A_484 = arith.andi %ne3A_480, %ne3A_483 : i1
      %sub3A_485 = arith.constant 1 : i32
      %sub3A_486 = arith.subi %div3A_465, %sub3A_485 : i32
      %select_n3A_487 = arith.select %and3A_484, %sub3A_486, %div3A_465 : i32
      %jit3A_488 = arith.constant 4 : i32
      %eq3A_489 = arith.constant 0 : i32
      %eq3A_490 = arith.cmpi eq, %jit3A_488, %eq3A_489 : i32
      %jit3A_491 = arith.constant 1 : i32
      %select_n3A_492 = arith.select %eq3A_490, %jit3A_491, %jit3A_488 : i32
      %rem3A_493 = arith.remsi %add3A_448, %select_n3A_492 : i32
      %ne3A_494 = arith.constant 0 : i32
      %ne3A_495 = arith.cmpi ne, %rem3A_493, %ne3A_494 : i32
      %lt3A_496 = arith.constant 0 : i32
      %lt3A_497 = arith.cmpi slt, %rem3A_493, %lt3A_496 : i32
      %lt3A_498 = arith.constant 0 : i32
      %lt3A_499 = arith.cmpi slt, %select_n3A_492, %lt3A_498 : i32
      %ne3A_500 = arith.xori %lt3A_497, %lt3A_499 : i1
      %and3A_501 = arith.andi %ne3A_500, %ne3A_495 : i1
      %add3A_502 = arith.addi %rem3A_493, %select_n3A_492 : i32
      %select_n3A_503 = arith.select %and3A_501, %add3A_502, %rem3A_493 : i32
      %mul3A_504 = arith.constant 128 : i32
      %mul3A_505 = arith.muli %select_n3A_503, %mul3A_504 : i32
      %add3A_506 = arith.addi %mul3A_2, %mul3A_505 : i32
      %dma_start3A_507 = arith.constant 2 : i32
      %dma_start3A_508 = arith.constant 2 : i32
      %dma_start3A_509 = arith.constant 0 : i32
      %dma_start3A_510 = arith.constant 0 : i32
      %dma_start3A_511 = tpu.memref_slice %arg6[%dma_start3A_507, %dma_start3A_509, %dma_start3A_510] : memref<4x128x128xf32, #tpu.memory_space<vmem>> -> memref<1x128x128xf32, #tpu.memory_space<vmem>>
      %dma_start3A_512 = tpu.memref_squeeze %dma_start3A_511 : memref<1x128x128xf32, #tpu.memory_space<vmem>> -> memref<128x128xf32, #tpu.memory_space<vmem>>
      %dma_start3A_513 = arith.constant 0 : i32
      %dma_start3A_514 = tpu.memref_slice %arg4[%select_n3A_487, %add3A_506, %dma_start3A_513] : memref<50x16384x128xf32, #tpu.memory_space<hbm>> -> memref<1x128x128xf32, #tpu.memory_space<hbm>>
      %dma_start3A_515 = tpu.memref_squeeze %dma_start3A_514 : memref<1x128x128xf32, #tpu.memory_space<hbm>> -> memref<128x128xf32, #tpu.memory_space<hbm>>
      %dma_start3A_516 = tpu.memref_slice %arg8[%dma_start3A_508] : memref<4x!tpu.dma_semaphore, #tpu.memory_space<semaphore_mem>> -> memref<1x!tpu.dma_semaphore, #tpu.memory_space<semaphore_mem>>
      %dma_start3A_517 = tpu.memref_squeeze %dma_start3A_516 : memref<1x!tpu.dma_semaphore, #tpu.memory_space<semaphore_mem>> -> memref<!tpu.dma_semaphore, #tpu.memory_space<semaphore_mem>>
      %dma_start3A_518 = arith.constant 0 : i32
      %dma_start3A_519 = tpu.memref_slice %arg4[%select_n3A_487, %add3A_506, %dma_start3A_518] : memref<50x16384x128xf32, #tpu.memory_space<hbm>> -> memref<1x128x128xf32, #tpu.memory_space<hbm>>
      %dma_start3A_520 = tpu.memref_squeeze %dma_start3A_519 : memref<1x128x128xf32, #tpu.memory_space<hbm>> -> memref<128x128xf32, #tpu.memory_space<hbm>>
      %dma_start3A_521 = arith.constant 0 : i32
      %dma_start3A_522 = arith.constant 0 : i32
      %dma_start3A_523 = tpu.memref_slice %arg6[%dma_start3A_507, %dma_start3A_521, %dma_start3A_522] : memref<4x128x128xf32, #tpu.memory_space<vmem>> -> memref<1x128x128xf32, #tpu.memory_space<vmem>>
      %dma_start3A_524 = tpu.memref_squeeze %dma_start3A_523 : memref<1x128x128xf32, #tpu.memory_space<vmem>> -> memref<128x128xf32, #tpu.memory_space<vmem>>
      tpu.enqueue_dma source(%dma_start3A_524 : memref<128x128xf32, #tpu.memory_space<vmem>>) target(%dma_start3A_520 : memref<128x128xf32, #tpu.memory_space<hbm>>) target_semaphore(%dma_start3A_517 : memref<!tpu.dma_semaphore, #tpu.memory_space<semaphore_mem>>)
      %mul3A_525 = arith.constant 4 : i32
      %mul3A_526 = arith.muli %scan3A_294, %mul3A_525 : i32
      %add3A_527 = arith.constant 3 : i32
      %add3A_528 = arith.addi %mul3A_526, %add3A_527 : i32
      %dma_wait3A_529 = arith.constant 0 : i32
      %dma_wait3A_530 = arith.constant 3 : i32
      %dma_wait3A_531 = arith.constant 3 : i32
      %dma_wait3A_532 = arith.constant 0 : i32
      %dma_wait3A_533 = arith.constant 0 : i32
      %dma_wait3A_534 = tpu.memref_slice %arg6[%dma_wait3A_530, %dma_wait3A_532, %dma_wait3A_533] : memref<4x128x128xf32, #tpu.memory_space<vmem>> -> memref<1x128x128xf32, #tpu.memory_space<vmem>>
      %dma_wait3A_535 = tpu.memref_squeeze %dma_wait3A_534 : memref<1x128x128xf32, #tpu.memory_space<vmem>> -> memref<128x128xf32, #tpu.memory_space<vmem>>
      %dma_wait3A_536 = arith.constant 0 : i32
      %dma_wait3A_537 = tpu.memref_slice %arg5[%dma_wait3A_529, %dma_wait3A_536] : memref<50x512xi32, #tpu.memory_space<vmem>> -> memref<1x128xi32, #tpu.memory_space<vmem>>
      %dma_wait3A_538 = tpu.memref_squeeze %dma_wait3A_537 : memref<1x128xi32, #tpu.memory_space<vmem>> -> memref<128xi32, #tpu.memory_space<vmem>>
      %dma_wait3A_539 = arith.constant 0 : i32
      %dma_wait3A_540 = arith.constant 0 : i32
      %dma_wait3A_541 = tpu.memref_slice %arg3[%dma_wait3A_539, %dma_wait3A_540] : memref<100000x128xf32, #tpu.memory_space<hbm>> -> memref<100000x128xf32, #tpu.memory_space<hbm>>
      %dma_wait3A_542 = tpu.memref_slice %arg7[%dma_wait3A_531] : memref<4x!tpu.dma_semaphore, #tpu.memory_space<semaphore_mem>> -> memref<1x!tpu.dma_semaphore, #tpu.memory_space<semaphore_mem>>
      %dma_wait3A_543 = tpu.memref_squeeze %dma_wait3A_542 : memref<1x!tpu.dma_semaphore, #tpu.memory_space<semaphore_mem>> -> memref<!tpu.dma_semaphore, #tpu.memory_space<semaphore_mem>>
      tpu.wait_indirect_dma semaphore(%dma_wait3A_543 : memref<!tpu.dma_semaphore, #tpu.memory_space<semaphore_mem>>) src(%dma_wait3A_541 : memref<100000x128xf32, #tpu.memory_space<hbm>>) dst(%dma_wait3A_535 : memref<128x128xf32, #tpu.memory_space<vmem>>)
      %jit3A_544 = arith.constant 4 : i32
      %div3A_545 = arith.divsi %add3A_528, %jit3A_544 : i32
      %sign3A_546 = arith.constant 0 : i32
      %sign3A_547 = arith.cmpi sgt, %add3A_528, %sign3A_546 : i32
      %sign3A_548 = arith.extui %sign3A_547 : i1 to i32
      %sign3A_549 = arith.constant 0 : i32
      %sign3A_550 = arith.cmpi slt, %add3A_528, %sign3A_549 : i32
      %sign3A_551 = arith.extui %sign3A_550 : i1 to i32
      %sign3A_552 = arith.subi %sign3A_548, %sign3A_551 : i32
      %sign3A_553 = arith.constant 0 : i32
      %sign3A_554 = arith.cmpi sgt, %jit3A_544, %sign3A_553 : i32
      %sign3A_555 = arith.extui %sign3A_554 : i1 to i32
      %sign3A_556 = arith.constant 0 : i32
      %sign3A_557 = arith.cmpi slt, %jit3A_544, %sign3A_556 : i32
      %sign3A_558 = arith.extui %sign3A_557 : i1 to i32
      %sign3A_559 = arith.subi %sign3A_555, %sign3A_558 : i32
      %ne3A_560 = arith.cmpi ne, %sign3A_552, %sign3A_559 : i32
      %rem3A_561 = arith.remsi %add3A_528, %jit3A_544 : i32
      %ne3A_562 = arith.constant 0 : i32
      %ne3A_563 = arith.cmpi ne, %rem3A_561, %ne3A_562 : i32
      %and3A_564 = arith.andi %ne3A_560, %ne3A_563 : i1
      %sub3A_565 = arith.constant 1 : i32
      %sub3A_566 = arith.subi %div3A_545, %sub3A_565 : i32
      %select_n3A_567 = arith.select %and3A_564, %sub3A_566, %div3A_545 : i32
      %jit3A_568 = arith.constant 4 : i32
      %eq3A_569 = arith.constant 0 : i32
      %eq3A_570 = arith.cmpi eq, %jit3A_568, %eq3A_569 : i32
      %jit3A_571 = arith.constant 1 : i32
      %select_n3A_572 = arith.select %eq3A_570, %jit3A_571, %jit3A_568 : i32
      %rem3A_573 = arith.remsi %add3A_528, %select_n3A_572 : i32
      %ne3A_574 = arith.constant 0 : i32
      %ne3A_575 = arith.cmpi ne, %rem3A_573, %ne3A_574 : i32
      %lt3A_576 = arith.constant 0 : i32
      %lt3A_577 = arith.cmpi slt, %rem3A_573, %lt3A_576 : i32
      %lt3A_578 = arith.constant 0 : i32
      %lt3A_579 = arith.cmpi slt, %select_n3A_572, %lt3A_578 : i32
      %ne3A_580 = arith.xori %lt3A_577, %lt3A_579 : i1
      %and3A_581 = arith.andi %ne3A_580, %ne3A_575 : i1
      %add3A_582 = arith.addi %rem3A_573, %select_n3A_572 : i32
      %select_n3A_583 = arith.select %and3A_581, %add3A_582, %rem3A_573 : i32
      %mul3A_584 = arith.constant 128 : i32
      %mul3A_585 = arith.muli %select_n3A_583, %mul3A_584 : i32
      %add3A_586 = arith.addi %mul3A_2, %mul3A_585 : i32
      %dma_start3A_587 = arith.constant 3 : i32
      %dma_start3A_588 = arith.constant 3 : i32
      %dma_start3A_589 = arith.constant 0 : i32
      %dma_start3A_590 = arith.constant 0 : i32
      %dma_start3A_591 = tpu.memref_slice %arg6[%dma_start3A_587, %dma_start3A_589, %dma_start3A_590] : memref<4x128x128xf32, #tpu.memory_space<vmem>> -> memref<1x128x128xf32, #tpu.memory_space<vmem>>
      %dma_start3A_592 = tpu.memref_squeeze %dma_start3A_591 : memref<1x128x128xf32, #tpu.memory_space<vmem>> -> memref<128x128xf32, #tpu.memory_space<vmem>>
      %dma_start3A_593 = arith.constant 0 : i32
      %dma_start3A_594 = tpu.memref_slice %arg4[%select_n3A_567, %add3A_586, %dma_start3A_593] : memref<50x16384x128xf32, #tpu.memory_space<hbm>> -> memref<1x128x128xf32, #tpu.memory_space<hbm>>
      %dma_start3A_595 = tpu.memref_squeeze %dma_start3A_594 : memref<1x128x128xf32, #tpu.memory_space<hbm>> -> memref<128x128xf32, #tpu.memory_space<hbm>>
      %dma_start3A_596 = tpu.memref_slice %arg8[%dma_start3A_588] : memref<4x!tpu.dma_semaphore, #tpu.memory_space<semaphore_mem>> -> memref<1x!tpu.dma_semaphore, #tpu.memory_space<semaphore_mem>>
      %dma_start3A_597 = tpu.memref_squeeze %dma_start3A_596 : memref<1x!tpu.dma_semaphore, #tpu.memory_space<semaphore_mem>> -> memref<!tpu.dma_semaphore, #tpu.memory_space<semaphore_mem>>
      %dma_start3A_598 = arith.constant 0 : i32
      %dma_start3A_599 = tpu.memref_slice %arg4[%select_n3A_567, %add3A_586, %dma_start3A_598] : memref<50x16384x128xf32, #tpu.memory_space<hbm>> -> memref<1x128x128xf32, #tpu.memory_space<hbm>>
      %dma_start3A_600 = tpu.memref_squeeze %dma_start3A_599 : memref<1x128x128xf32, #tpu.memory_space<hbm>> -> memref<128x128xf32, #tpu.memory_space<hbm>>
      %dma_start3A_601 = arith.constant 0 : i32
      %dma_start3A_602 = arith.constant 0 : i32
      %dma_start3A_603 = tpu.memref_slice %arg6[%dma_start3A_587, %dma_start3A_601, %dma_start3A_602] : memref<4x128x128xf32, #tpu.memory_space<vmem>> -> memref<1x128x128xf32, #tpu.memory_space<vmem>>
      %dma_start3A_604 = tpu.memref_squeeze %dma_start3A_603 : memref<1x128x128xf32, #tpu.memory_space<vmem>> -> memref<128x128xf32, #tpu.memory_space<vmem>>
      tpu.enqueue_dma source(%dma_start3A_604 : memref<128x128xf32, #tpu.memory_space<vmem>>) target(%dma_start3A_600 : memref<128x128xf32, #tpu.memory_space<hbm>>) target_semaphore(%dma_start3A_597 : memref<!tpu.dma_semaphore, #tpu.memory_space<semaphore_mem>>)
      %dma_wait3A_605 = arith.constant 0 : i32
      %dma_wait3A_606 = arith.constant 0 : i32
      %dma_wait3A_607 = arith.constant 0 : i32
      %dma_wait3A_608 = arith.constant 0 : i32
      %dma_wait3A_609 = arith.constant 0 : i32
      %dma_wait3A_610 = tpu.memref_slice %arg6[%dma_wait3A_605, %dma_wait3A_608, %dma_wait3A_609] : memref<4x128x128xf32, #tpu.memory_space<vmem>> -> memref<1x128x128xf32, #tpu.memory_space<vmem>>
      %dma_wait3A_611 = tpu.memref_squeeze %dma_wait3A_610 : memref<1x128x128xf32, #tpu.memory_space<vmem>> -> memref<128x128xf32, #tpu.memory_space<vmem>>
      %dma_wait3A_612 = arith.constant 0 : i32
      %dma_wait3A_613 = arith.constant 0 : i32
      %dma_wait3A_614 = tpu.memref_slice %arg4[%dma_wait3A_606, %dma_wait3A_612, %dma_wait3A_613] : memref<50x16384x128xf32, #tpu.memory_space<hbm>> -> memref<1x128x128xf32, #tpu.memory_space<hbm>>
      %dma_wait3A_615 = tpu.memref_squeeze %dma_wait3A_614 : memref<1x128x128xf32, #tpu.memory_space<hbm>> -> memref<128x128xf32, #tpu.memory_space<hbm>>
      %dma_wait3A_616 = tpu.memref_slice %arg8[%dma_wait3A_607] : memref<4x!tpu.dma_semaphore, #tpu.memory_space<semaphore_mem>> -> memref<1x!tpu.dma_semaphore, #tpu.memory_space<semaphore_mem>>
      %dma_wait3A_617 = tpu.memref_squeeze %dma_wait3A_616 : memref<1x!tpu.dma_semaphore, #tpu.memory_space<semaphore_mem>> -> memref<!tpu.dma_semaphore, #tpu.memory_space<semaphore_mem>>
      %dma_wait3A_618 = arith.constant 0 : i32
      %dma_wait3A_619 = arith.constant 0 : i32
      %dma_wait3A_620 = tpu.memref_slice %arg4[%dma_wait3A_606, %dma_wait3A_618, %dma_wait3A_619] : memref<50x16384x128xf32, #tpu.memory_space<hbm>> -> memref<1x128x128xf32, #tpu.memory_space<hbm>>
      %dma_wait3A_621 = tpu.memref_squeeze %dma_wait3A_620 : memref<1x128x128xf32, #tpu.memory_space<hbm>> -> memref<128x128xf32, #tpu.memory_space<hbm>>
      %dma_wait3A_622 = arith.constant 0 : i32
      %dma_wait3A_623 = arith.constant 0 : i32
      %dma_wait3A_624 = tpu.memref_slice %arg6[%dma_wait3A_605, %dma_wait3A_622, %dma_wait3A_623] : memref<4x128x128xf32, #tpu.memory_space<vmem>> -> memref<1x128x128xf32, #tpu.memory_space<vmem>>
      %dma_wait3A_625 = tpu.memref_squeeze %dma_wait3A_624 : memref<1x128x128xf32, #tpu.memory_space<vmem>> -> memref<128x128xf32, #tpu.memory_space<vmem>>
      tpu.wait_dma2 semaphore(%dma_wait3A_617 : memref<!tpu.dma_semaphore, #tpu.memory_space<semaphore_mem>>) src(%dma_wait3A_625 : memref<128x128xf32, #tpu.memory_space<vmem>>) dst(%dma_wait3A_621 : memref<128x128xf32, #tpu.memory_space<hbm>>)
      %add3A_626 = arith.constant 1 : i32
      %add3A_627 = arith.addi %scan3A_294, %add3A_626 : i32
      %mul3A_628 = arith.constant 4 : i32
      %mul3A_629 = arith.muli %add3A_627, %mul3A_628 : i32
      %add3A_630 = arith.constant 0 : i32
      %add3A_631 = arith.addi %mul3A_629, %add3A_630 : i32
      %jit3A_632 = arith.constant 4 : i32
      %div3A_633 = arith.divsi %add3A_631, %jit3A_632 : i32
      %sign3A_634 = arith.constant 0 : i32
      %sign3A_635 = arith.cmpi sgt, %add3A_631, %sign3A_634 : i32
      %sign3A_636 = arith.extui %sign3A_635 : i1 to i32
      %sign3A_637 = arith.constant 0 : i32
      %sign3A_638 = arith.cmpi slt, %add3A_631, %sign3A_637 : i32
      %sign3A_639 = arith.extui %sign3A_638 : i1 to i32
      %sign3A_640 = arith.subi %sign3A_636, %sign3A_639 : i32
      %sign3A_641 = arith.constant 0 : i32
      %sign3A_642 = arith.cmpi sgt, %jit3A_632, %sign3A_641 : i32
      %sign3A_643 = arith.extui %sign3A_642 : i1 to i32
      %sign3A_644 = arith.constant 0 : i32
      %sign3A_645 = arith.cmpi slt, %jit3A_632, %sign3A_644 : i32
      %sign3A_646 = arith.extui %sign3A_645 : i1 to i32
      %sign3A_647 = arith.subi %sign3A_643, %sign3A_646 : i32
      %ne3A_648 = arith.cmpi ne, %sign3A_640, %sign3A_647 : i32
      %rem3A_649 = arith.remsi %add3A_631, %jit3A_632 : i32
      %ne3A_650 = arith.constant 0 : i32
      %ne3A_651 = arith.cmpi ne, %rem3A_649, %ne3A_650 : i32
      %and3A_652 = arith.andi %ne3A_648, %ne3A_651 : i1
      %sub3A_653 = arith.constant 1 : i32
      %sub3A_654 = arith.subi %div3A_633, %sub3A_653 : i32
      %select_n3A_655 = arith.select %and3A_652, %sub3A_654, %div3A_633 : i32
      %jit3A_656 = arith.constant 4 : i32
      %eq3A_657 = arith.constant 0 : i32
      %eq3A_658 = arith.cmpi eq, %jit3A_656, %eq3A_657 : i32
      %jit3A_659 = arith.constant 1 : i32
      %select_n3A_660 = arith.select %eq3A_658, %jit3A_659, %jit3A_656 : i32
      %rem3A_661 = arith.remsi %add3A_631, %select_n3A_660 : i32
      %ne3A_662 = arith.constant 0 : i32
      %ne3A_663 = arith.cmpi ne, %rem3A_661, %ne3A_662 : i32
      %lt3A_664 = arith.constant 0 : i32
      %lt3A_665 = arith.cmpi slt, %rem3A_661, %lt3A_664 : i32
      %lt3A_666 = arith.constant 0 : i32
      %lt3A_667 = arith.cmpi slt, %select_n3A_660, %lt3A_666 : i32
      %ne3A_668 = arith.xori %lt3A_665, %lt3A_667 : i1
      %and3A_669 = arith.andi %ne3A_668, %ne3A_663 : i1
      %add3A_670 = arith.addi %rem3A_661, %select_n3A_660 : i32
      %select_n3A_671 = arith.select %and3A_669, %add3A_670, %rem3A_661 : i32
      %mul3A_672 = arith.constant 128 : i32
      %mul3A_673 = arith.muli %select_n3A_671, %mul3A_672 : i32
      %dma_start3A_674 = arith.constant 0 : i32
      %dma_start3A_675 = arith.constant 0 : i32
      %dma_start3A_676 = arith.constant 0 : i32
      %dma_start3A_677 = arith.constant 0 : i32
      %dma_start3A_678 = tpu.memref_slice %arg6[%dma_start3A_674, %dma_start3A_676, %dma_start3A_677] : memref<4x128x128xf32, #tpu.memory_space<vmem>> -> memref<1x128x128xf32, #tpu.memory_space<vmem>>
      %dma_start3A_679 = tpu.memref_squeeze %dma_start3A_678 : memref<1x128x128xf32, #tpu.memory_space<vmem>> -> memref<128x128xf32, #tpu.memory_space<vmem>>
      %dma_start3A_680 = tpu.memref_slice %arg5[%select_n3A_655, %mul3A_673] : memref<50x512xi32, #tpu.memory_space<vmem>> -> memref<1x128xi32, #tpu.memory_space<vmem>>
      %dma_start3A_681 = tpu.memref_squeeze %dma_start3A_680 : memref<1x128xi32, #tpu.memory_space<vmem>> -> memref<128xi32, #tpu.memory_space<vmem>>
      %dma_start3A_682 = arith.constant 0 : i32
      %dma_start3A_683 = arith.constant 0 : i32
      %dma_start3A_684 = tpu.memref_slice %arg3[%dma_start3A_682, %dma_start3A_683] : memref<100000x128xf32, #tpu.memory_space<hbm>> -> memref<100000x128xf32, #tpu.memory_space<hbm>>
      %dma_start3A_685 = tpu.memref_slice %arg7[%dma_start3A_675] : memref<4x!tpu.dma_semaphore, #tpu.memory_space<semaphore_mem>> -> memref<1x!tpu.dma_semaphore, #tpu.memory_space<semaphore_mem>>
      %dma_start3A_686 = tpu.memref_squeeze %dma_start3A_685 : memref<1x!tpu.dma_semaphore, #tpu.memory_space<semaphore_mem>> -> memref<!tpu.dma_semaphore, #tpu.memory_space<semaphore_mem>>
      tpu.enqueue_indirect_dma source(%dma_start3A_684 : memref<100000x128xf32, #tpu.memory_space<hbm>>) target(%dma_start3A_679 : memref<128x128xf32, #tpu.memory_space<vmem>>) offsets(%dma_start3A_681 : memref<128xi32, #tpu.memory_space<vmem>>) semaphore(%dma_start3A_686 : memref<!tpu.dma_semaphore, #tpu.memory_space<semaphore_mem>>)
      %dma_wait3A_687 = arith.constant 1 : i32
      %dma_wait3A_688 = arith.constant 0 : i32
      %dma_wait3A_689 = arith.constant 1 : i32
      %dma_wait3A_690 = arith.constant 0 : i32
      %dma_wait3A_691 = arith.constant 0 : i32
      %dma_wait3A_692 = tpu.memref_slice %arg6[%dma_wait3A_687, %dma_wait3A_690, %dma_wait3A_691] : memref<4x128x128xf32, #tpu.memory_space<vmem>> -> memref<1x128x128xf32, #tpu.memory_space<vmem>>
      %dma_wait3A_693 = tpu.memref_squeeze %dma_wait3A_692 : memref<1x128x128xf32, #tpu.memory_space<vmem>> -> memref<128x128xf32, #tpu.memory_space<vmem>>
      %dma_wait3A_694 = arith.constant 0 : i32
      %dma_wait3A_695 = arith.constant 0 : i32
      %dma_wait3A_696 = tpu.memref_slice %arg4[%dma_wait3A_688, %dma_wait3A_694, %dma_wait3A_695] : memref<50x16384x128xf32, #tpu.memory_space<hbm>> -> memref<1x128x128xf32, #tpu.memory_space<hbm>>
      %dma_wait3A_697 = tpu.memref_squeeze %dma_wait3A_696 : memref<1x128x128xf32, #tpu.memory_space<hbm>> -> memref<128x128xf32, #tpu.memory_space<hbm>>
      %dma_wait3A_698 = tpu.memref_slice %arg8[%dma_wait3A_689] : memref<4x!tpu.dma_semaphore, #tpu.memory_space<semaphore_mem>> -> memref<1x!tpu.dma_semaphore, #tpu.memory_space<semaphore_mem>>
      %dma_wait3A_699 = tpu.memref_squeeze %dma_wait3A_698 : memref<1x!tpu.dma_semaphore, #tpu.memory_space<semaphore_mem>> -> memref<!tpu.dma_semaphore, #tpu.memory_space<semaphore_mem>>
      %dma_wait3A_700 = arith.constant 0 : i32
      %dma_wait3A_701 = arith.constant 0 : i32
      %dma_wait3A_702 = tpu.memref_slice %arg4[%dma_wait3A_688, %dma_wait3A_700, %dma_wait3A_701] : memref<50x16384x128xf32, #tpu.memory_space<hbm>> -> memref<1x128x128xf32, #tpu.memory_space<hbm>>
      %dma_wait3A_703 = tpu.memref_squeeze %dma_wait3A_702 : memref<1x128x128xf32, #tpu.memory_space<hbm>> -> memref<128x128xf32, #tpu.memory_space<hbm>>
      %dma_wait3A_704 = arith.constant 0 : i32
      %dma_wait3A_705 = arith.constant 0 : i32
      %dma_wait3A_706 = tpu.memref_slice %arg6[%dma_wait3A_687, %dma_wait3A_704, %dma_wait3A_705] : memref<4x128x128xf32, #tpu.memory_space<vmem>> -> memref<1x128x128xf32, #tpu.memory_space<vmem>>
      %dma_wait3A_707 = tpu.memref_squeeze %dma_wait3A_706 : memref<1x128x128xf32, #tpu.memory_space<vmem>> -> memref<128x128xf32, #tpu.memory_space<vmem>>
      tpu.wait_dma2 semaphore(%dma_wait3A_699 : memref<!tpu.dma_semaphore, #tpu.memory_space<semaphore_mem>>) src(%dma_wait3A_707 : memref<128x128xf32, #tpu.memory_space<vmem>>) dst(%dma_wait3A_703 : memref<128x128xf32, #tpu.memory_space<hbm>>)
      %add3A_708 = arith.constant 1 : i32
      %add3A_709 = arith.addi %scan3A_294, %add3A_708 : i32
      %mul3A_710 = arith.constant 4 : i32
      %mul3A_711 = arith.muli %add3A_709, %mul3A_710 : i32
      %add3A_712 = arith.constant 1 : i32
      %add3A_713 = arith.addi %mul3A_711, %add3A_712 : i32
      %jit3A_714 = arith.constant 4 : i32
      %div3A_715 = arith.divsi %add3A_713, %jit3A_714 : i32
      %sign3A_716 = arith.constant 0 : i32
      %sign3A_717 = arith.cmpi sgt, %add3A_713, %sign3A_716 : i32
      %sign3A_718 = arith.extui %sign3A_717 : i1 to i32
      %sign3A_719 = arith.constant 0 : i32
      %sign3A_720 = arith.cmpi slt, %add3A_713, %sign3A_719 : i32
      %sign3A_721 = arith.extui %sign3A_720 : i1 to i32
      %sign3A_722 = arith.subi %sign3A_718, %sign3A_721 : i32
      %sign3A_723 = arith.constant 0 : i32
      %sign3A_724 = arith.cmpi sgt, %jit3A_714, %sign3A_723 : i32
      %sign3A_725 = arith.extui %sign3A_724 : i1 to i32
      %sign3A_726 = arith.constant 0 : i32
      %sign3A_727 = arith.cmpi slt, %jit3A_714, %sign3A_726 : i32
      %sign3A_728 = arith.extui %sign3A_727 : i1 to i32
      %sign3A_729 = arith.subi %sign3A_725, %sign3A_728 : i32
      %ne3A_730 = arith.cmpi ne, %sign3A_722, %sign3A_729 : i32
      %rem3A_731 = arith.remsi %add3A_713, %jit3A_714 : i32
      %ne3A_732 = arith.constant 0 : i32
      %ne3A_733 = arith.cmpi ne, %rem3A_731, %ne3A_732 : i32
      %and3A_734 = arith.andi %ne3A_730, %ne3A_733 : i1
      %sub3A_735 = arith.constant 1 : i32
      %sub3A_736 = arith.subi %div3A_715, %sub3A_735 : i32
      %select_n3A_737 = arith.select %and3A_734, %sub3A_736, %div3A_715 : i32
      %jit3A_738 = arith.constant 4 : i32
      %eq3A_739 = arith.constant 0 : i32
      %eq3A_740 = arith.cmpi eq, %jit3A_738, %eq3A_739 : i32
      %jit3A_741 = arith.constant 1 : i32
      %select_n3A_742 = arith.select %eq3A_740, %jit3A_741, %jit3A_738 : i32
      %rem3A_743 = arith.remsi %add3A_713, %select_n3A_742 : i32
      %ne3A_744 = arith.constant 0 : i32
      %ne3A_745 = arith.cmpi ne, %rem3A_743, %ne3A_744 : i32
      %lt3A_746 = arith.constant 0 : i32
      %lt3A_747 = arith.cmpi slt, %rem3A_743, %lt3A_746 : i32
      %lt3A_748 = arith.constant 0 : i32
      %lt3A_749 = arith.cmpi slt, %select_n3A_742, %lt3A_748 : i32
      %ne3A_750 = arith.xori %lt3A_747, %lt3A_749 : i1
      %and3A_751 = arith.andi %ne3A_750, %ne3A_745 : i1
      %add3A_752 = arith.addi %rem3A_743, %select_n3A_742 : i32
      %select_n3A_753 = arith.select %and3A_751, %add3A_752, %rem3A_743 : i32
      %mul3A_754 = arith.constant 128 : i32
      %mul3A_755 = arith.muli %select_n3A_753, %mul3A_754 : i32
      %dma_start3A_756 = arith.constant 1 : i32
      %dma_start3A_757 = arith.constant 1 : i32
      %dma_start3A_758 = arith.constant 0 : i32
      %dma_start3A_759 = arith.constant 0 : i32
      %dma_start3A_760 = tpu.memref_slice %arg6[%dma_start3A_756, %dma_start3A_758, %dma_start3A_759] : memref<4x128x128xf32, #tpu.memory_space<vmem>> -> memref<1x128x128xf32, #tpu.memory_space<vmem>>
      %dma_start3A_761 = tpu.memref_squeeze %dma_start3A_760 : memref<1x128x128xf32, #tpu.memory_space<vmem>> -> memref<128x128xf32, #tpu.memory_space<vmem>>
      %dma_start3A_762 = tpu.memref_slice %arg5[%select_n3A_737, %mul3A_755] : memref<50x512xi32, #tpu.memory_space<vmem>> -> memref<1x128xi32, #tpu.memory_space<vmem>>
      %dma_start3A_763 = tpu.memref_squeeze %dma_start3A_762 : memref<1x128xi32, #tpu.memory_space<vmem>> -> memref<128xi32, #tpu.memory_space<vmem>>
      %dma_start3A_764 = arith.constant 0 : i32
      %dma_start3A_765 = arith.constant 0 : i32
      %dma_start3A_766 = tpu.memref_slice %arg3[%dma_start3A_764, %dma_start3A_765] : memref<100000x128xf32, #tpu.memory_space<hbm>> -> memref<100000x128xf32, #tpu.memory_space<hbm>>
      %dma_start3A_767 = tpu.memref_slice %arg7[%dma_start3A_757] : memref<4x!tpu.dma_semaphore, #tpu.memory_space<semaphore_mem>> -> memref<1x!tpu.dma_semaphore, #tpu.memory_space<semaphore_mem>>
      %dma_start3A_768 = tpu.memref_squeeze %dma_start3A_767 : memref<1x!tpu.dma_semaphore, #tpu.memory_space<semaphore_mem>> -> memref<!tpu.dma_semaphore, #tpu.memory_space<semaphore_mem>>
      tpu.enqueue_indirect_dma source(%dma_start3A_766 : memref<100000x128xf32, #tpu.memory_space<hbm>>) target(%dma_start3A_761 : memref<128x128xf32, #tpu.memory_space<vmem>>) offsets(%dma_start3A_763 : memref<128xi32, #tpu.memory_space<vmem>>) semaphore(%dma_start3A_768 : memref<!tpu.dma_semaphore, #tpu.memory_space<semaphore_mem>>)
      %dma_wait3A_769 = arith.constant 2 : i32
      %dma_wait3A_770 = arith.constant 0 : i32
      %dma_wait3A_771 = arith.constant 2 : i32
      %dma_wait3A_772 = arith.constant 0 : i32
      %dma_wait3A_773 = arith.constant 0 : i32
      %dma_wait3A_774 = tpu.memref_slice %arg6[%dma_wait3A_769, %dma_wait3A_772, %dma_wait3A_773] : memref<4x128x128xf32, #tpu.memory_space<vmem>> -> memref<1x128x128xf32, #tpu.memory_space<vmem>>
      %dma_wait3A_775 = tpu.memref_squeeze %dma_wait3A_774 : memref<1x128x128xf32, #tpu.memory_space<vmem>> -> memref<128x128xf32, #tpu.memory_space<vmem>>
      %dma_wait3A_776 = arith.constant 0 : i32
      %dma_wait3A_777 = arith.constant 0 : i32
      %dma_wait3A_778 = tpu.memref_slice %arg4[%dma_wait3A_770, %dma_wait3A_776, %dma_wait3A_777] : memref<50x16384x128xf32, #tpu.memory_space<hbm>> -> memref<1x128x128xf32, #tpu.memory_space<hbm>>
      %dma_wait3A_779 = tpu.memref_squeeze %dma_wait3A_778 : memref<1x128x128xf32, #tpu.memory_space<hbm>> -> memref<128x128xf32, #tpu.memory_space<hbm>>
      %dma_wait3A_780 = tpu.memref_slice %arg8[%dma_wait3A_771] : memref<4x!tpu.dma_semaphore, #tpu.memory_space<semaphore_mem>> -> memref<1x!tpu.dma_semaphore, #tpu.memory_space<semaphore_mem>>
      %dma_wait3A_781 = tpu.memref_squeeze %dma_wait3A_780 : memref<1x!tpu.dma_semaphore, #tpu.memory_space<semaphore_mem>> -> memref<!tpu.dma_semaphore, #tpu.memory_space<semaphore_mem>>
      %dma_wait3A_782 = arith.constant 0 : i32
      %dma_wait3A_783 = arith.constant 0 : i32
      %dma_wait3A_784 = tpu.memref_slice %arg4[%dma_wait3A_770, %dma_wait3A_782, %dma_wait3A_783] : memref<50x16384x128xf32, #tpu.memory_space<hbm>> -> memref<1x128x128xf32, #tpu.memory_space<hbm>>
      %dma_wait3A_785 = tpu.memref_squeeze %dma_wait3A_784 : memref<1x128x128xf32, #tpu.memory_space<hbm>> -> memref<128x128xf32, #tpu.memory_space<hbm>>
      %dma_wait3A_786 = arith.constant 0 : i32
      %dma_wait3A_787 = arith.constant 0 : i32
      %dma_wait3A_788 = tpu.memref_slice %arg6[%dma_wait3A_769, %dma_wait3A_786, %dma_wait3A_787] : memref<4x128x128xf32, #tpu.memory_space<vmem>> -> memref<1x128x128xf32, #tpu.memory_space<vmem>>
      %dma_wait3A_789 = tpu.memref_squeeze %dma_wait3A_788 : memref<1x128x128xf32, #tpu.memory_space<vmem>> -> memref<128x128xf32, #tpu.memory_space<vmem>>
      tpu.wait_dma2 semaphore(%dma_wait3A_781 : memref<!tpu.dma_semaphore, #tpu.memory_space<semaphore_mem>>) src(%dma_wait3A_789 : memref<128x128xf32, #tpu.memory_space<vmem>>) dst(%dma_wait3A_785 : memref<128x128xf32, #tpu.memory_space<hbm>>)
      %add3A_790 = arith.constant 1 : i32
      %add3A_791 = arith.addi %scan3A_294, %add3A_790 : i32
      %mul3A_792 = arith.constant 4 : i32
      %mul3A_793 = arith.muli %add3A_791, %mul3A_792 : i32
      %add3A_794 = arith.constant 2 : i32
      %add3A_795 = arith.addi %mul3A_793, %add3A_794 : i32
      %jit3A_796 = arith.constant 4 : i32
      %div3A_797 = arith.divsi %add3A_795, %jit3A_796 : i32
      %sign3A_798 = arith.constant 0 : i32
      %sign3A_799 = arith.cmpi sgt, %add3A_795, %sign3A_798 : i32
      %sign3A_800 = arith.extui %sign3A_799 : i1 to i32
      %sign3A_801 = arith.constant 0 : i32
      %sign3A_802 = arith.cmpi slt, %add3A_795, %sign3A_801 : i32
      %sign3A_803 = arith.extui %sign3A_802 : i1 to i32
      %sign3A_804 = arith.subi %sign3A_800, %sign3A_803 : i32
      %sign3A_805 = arith.constant 0 : i32
      %sign3A_806 = arith.cmpi sgt, %jit3A_796, %sign3A_805 : i32
      %sign3A_807 = arith.extui %sign3A_806 : i1 to i32
      %sign3A_808 = arith.constant 0 : i32
      %sign3A_809 = arith.cmpi slt, %jit3A_796, %sign3A_808 : i32
      %sign3A_810 = arith.extui %sign3A_809 : i1 to i32
      %sign3A_811 = arith.subi %sign3A_807, %sign3A_810 : i32
      %ne3A_812 = arith.cmpi ne, %sign3A_804, %sign3A_811 : i32
      %rem3A_813 = arith.remsi %add3A_795, %jit3A_796 : i32
      %ne3A_814 = arith.constant 0 : i32
      %ne3A_815 = arith.cmpi ne, %rem3A_813, %ne3A_814 : i32
      %and3A_816 = arith.andi %ne3A_812, %ne3A_815 : i1
      %sub3A_817 = arith.constant 1 : i32
      %sub3A_818 = arith.subi %div3A_797, %sub3A_817 : i32
      %select_n3A_819 = arith.select %and3A_816, %sub3A_818, %div3A_797 : i32
      %jit3A_820 = arith.constant 4 : i32
      %eq3A_821 = arith.constant 0 : i32
      %eq3A_822 = arith.cmpi eq, %jit3A_820, %eq3A_821 : i32
      %jit3A_823 = arith.constant 1 : i32
      %select_n3A_824 = arith.select %eq3A_822, %jit3A_823, %jit3A_820 : i32
      %rem3A_825 = arith.remsi %add3A_795, %select_n3A_824 : i32
      %ne3A_826 = arith.constant 0 : i32
      %ne3A_827 = arith.cmpi ne, %rem3A_825, %ne3A_826 : i32
      %lt3A_828 = arith.constant 0 : i32
      %lt3A_829 = arith.cmpi slt, %rem3A_825, %lt3A_828 : i32
      %lt3A_830 = arith.constant 0 : i32
      %lt3A_831 = arith.cmpi slt, %select_n3A_824, %lt3A_830 : i32
      %ne3A_832 = arith.xori %lt3A_829, %lt3A_831 : i1
      %and3A_833 = arith.andi %ne3A_832, %ne3A_827 : i1
      %add3A_834 = arith.addi %rem3A_825, %select_n3A_824 : i32
      %select_n3A_835 = arith.select %and3A_833, %add3A_834, %rem3A_825 : i32
      %mul3A_836 = arith.constant 128 : i32
      %mul3A_837 = arith.muli %select_n3A_835, %mul3A_836 : i32
      %dma_start3A_838 = arith.constant 2 : i32
      %dma_start3A_839 = arith.constant 2 : i32
      %dma_start3A_840 = arith.constant 0 : i32
      %dma_start3A_841 = arith.constant 0 : i32
      %dma_start3A_842 = tpu.memref_slice %arg6[%dma_start3A_838, %dma_start3A_840, %dma_start3A_841] : memref<4x128x128xf32, #tpu.memory_space<vmem>> -> memref<1x128x128xf32, #tpu.memory_space<vmem>>
      %dma_start3A_843 = tpu.memref_squeeze %dma_start3A_842 : memref<1x128x128xf32, #tpu.memory_space<vmem>> -> memref<128x128xf32, #tpu.memory_space<vmem>>
      %dma_start3A_844 = tpu.memref_slice %arg5[%select_n3A_819, %mul3A_837] : memref<50x512xi32, #tpu.memory_space<vmem>> -> memref<1x128xi32, #tpu.memory_space<vmem>>
      %dma_start3A_845 = tpu.memref_squeeze %dma_start3A_844 : memref<1x128xi32, #tpu.memory_space<vmem>> -> memref<128xi32, #tpu.memory_space<vmem>>
      %dma_start3A_846 = arith.constant 0 : i32
      %dma_start3A_847 = arith.constant 0 : i32
      %dma_start3A_848 = tpu.memref_slice %arg3[%dma_start3A_846, %dma_start3A_847] : memref<100000x128xf32, #tpu.memory_space<hbm>> -> memref<100000x128xf32, #tpu.memory_space<hbm>>
      %dma_start3A_849 = tpu.memref_slice %arg7[%dma_start3A_839] : memref<4x!tpu.dma_semaphore, #tpu.memory_space<semaphore_mem>> -> memref<1x!tpu.dma_semaphore, #tpu.memory_space<semaphore_mem>>
      %dma_start3A_850 = tpu.memref_squeeze %dma_start3A_849 : memref<1x!tpu.dma_semaphore, #tpu.memory_space<semaphore_mem>> -> memref<!tpu.dma_semaphore, #tpu.memory_space<semaphore_mem>>
      tpu.enqueue_indirect_dma source(%dma_start3A_848 : memref<100000x128xf32, #tpu.memory_space<hbm>>) target(%dma_start3A_843 : memref<128x128xf32, #tpu.memory_space<vmem>>) offsets(%dma_start3A_845 : memref<128xi32, #tpu.memory_space<vmem>>) semaphore(%dma_start3A_850 : memref<!tpu.dma_semaphore, #tpu.memory_space<semaphore_mem>>)
      %dma_wait3A_851 = arith.constant 3 : i32
      %dma_wait3A_852 = arith.constant 0 : i32
      %dma_wait3A_853 = arith.constant 3 : i32
      %dma_wait3A_854 = arith.constant 0 : i32
      %dma_wait3A_855 = arith.constant 0 : i32
      %dma_wait3A_856 = tpu.memref_slice %arg6[%dma_wait3A_851, %dma_wait3A_854, %dma_wait3A_855] : memref<4x128x128xf32, #tpu.memory_space<vmem>> -> memref<1x128x128xf32, #tpu.memory_space<vmem>>
      %dma_wait3A_857 = tpu.memref_squeeze %dma_wait3A_856 : memref<1x128x128xf32, #tpu.memory_space<vmem>> -> memref<128x128xf32, #tpu.memory_space<vmem>>
      %dma_wait3A_858 = arith.constant 0 : i32
      %dma_wait3A_859 = arith.constant 0 : i32
      %dma_wait3A_860 = tpu.memref_slice %arg4[%dma_wait3A_852, %dma_wait3A_858, %dma_wait3A_859] : memref<50x16384x128xf32, #tpu.memory_space<hbm>> -> memref<1x128x128xf32, #tpu.memory_space<hbm>>
      %dma_wait3A_861 = tpu.memref_squeeze %dma_wait3A_860 : memref<1x128x128xf32, #tpu.memory_space<hbm>> -> memref<128x128xf32, #tpu.memory_space<hbm>>
      %dma_wait3A_862 = tpu.memref_slice %arg8[%dma_wait3A_853] : memref<4x!tpu.dma_semaphore, #tpu.memory_space<semaphore_mem>> -> memref<1x!tpu.dma_semaphore, #tpu.memory_space<semaphore_mem>>
      %dma_wait3A_863 = tpu.memref_squeeze %dma_wait3A_862 : memref<1x!tpu.dma_semaphore, #tpu.memory_space<semaphore_mem>> -> memref<!tpu.dma_semaphore, #tpu.memory_space<semaphore_mem>>
      %dma_wait3A_864 = arith.constant 0 : i32
      %dma_wait3A_865 = arith.constant 0 : i32
      %dma_wait3A_866 = tpu.memref_slice %arg4[%dma_wait3A_852, %dma_wait3A_864, %dma_wait3A_865] : memref<50x16384x128xf32, #tpu.memory_space<hbm>> -> memref<1x128x128xf32, #tpu.memory_space<hbm>>
      %dma_wait3A_867 = tpu.memref_squeeze %dma_wait3A_866 : memref<1x128x128xf32, #tpu.memory_space<hbm>> -> memref<128x128xf32, #tpu.memory_space<hbm>>
      %dma_wait3A_868 = arith.constant 0 : i32
      %dma_wait3A_869 = arith.constant 0 : i32
      %dma_wait3A_870 = tpu.memref_slice %arg6[%dma_wait3A_851, %dma_wait3A_868, %dma_wait3A_869] : memref<4x128x128xf32, #tpu.memory_space<vmem>> -> memref<1x128x128xf32, #tpu.memory_space<vmem>>
      %dma_wait3A_871 = tpu.memref_squeeze %dma_wait3A_870 : memref<1x128x128xf32, #tpu.memory_space<vmem>> -> memref<128x128xf32, #tpu.memory_space<vmem>>
      tpu.wait_dma2 semaphore(%dma_wait3A_863 : memref<!tpu.dma_semaphore, #tpu.memory_space<semaphore_mem>>) src(%dma_wait3A_871 : memref<128x128xf32, #tpu.memory_space<vmem>>) dst(%dma_wait3A_867 : memref<128x128xf32, #tpu.memory_space<hbm>>)
      %add3A_872 = arith.constant 1 : i32
      %add3A_873 = arith.addi %scan3A_294, %add3A_872 : i32
      %mul3A_874 = arith.constant 4 : i32
      %mul3A_875 = arith.muli %add3A_873, %mul3A_874 : i32
      %add3A_876 = arith.constant 3 : i32
      %add3A_877 = arith.addi %mul3A_875, %add3A_876 : i32
      %jit3A_878 = arith.constant 4 : i32
      %div3A_879 = arith.divsi %add3A_877, %jit3A_878 : i32
      %sign3A_880 = arith.constant 0 : i32
      %sign3A_881 = arith.cmpi sgt, %add3A_877, %sign3A_880 : i32
      %sign3A_882 = arith.extui %sign3A_881 : i1 to i32
      %sign3A_883 = arith.constant 0 : i32
      %sign3A_884 = arith.cmpi slt, %add3A_877, %sign3A_883 : i32
      %sign3A_885 = arith.extui %sign3A_884 : i1 to i32
      %sign3A_886 = arith.subi %sign3A_882, %sign3A_885 : i32
      %sign3A_887 = arith.constant 0 : i32
      %sign3A_888 = arith.cmpi sgt, %jit3A_878, %sign3A_887 : i32
      %sign3A_889 = arith.extui %sign3A_888 : i1 to i32
      %sign3A_890 = arith.constant 0 : i32
      %sign3A_891 = arith.cmpi slt, %jit3A_878, %sign3A_890 : i32
      %sign3A_892 = arith.extui %sign3A_891 : i1 to i32
      %sign3A_893 = arith.subi %sign3A_889, %sign3A_892 : i32
      %ne3A_894 = arith.cmpi ne, %sign3A_886, %sign3A_893 : i32
      %rem3A_895 = arith.remsi %add3A_877, %jit3A_878 : i32
      %ne3A_896 = arith.constant 0 : i32
      %ne3A_897 = arith.cmpi ne, %rem3A_895, %ne3A_896 : i32
      %and3A_898 = arith.andi %ne3A_894, %ne3A_897 : i1
      %sub3A_899 = arith.constant 1 : i32
      %sub3A_900 = arith.subi %div3A_879, %sub3A_899 : i32
      %select_n3A_901 = arith.select %and3A_898, %sub3A_900, %div3A_879 : i32
      %jit3A_902 = arith.constant 4 : i32
      %eq3A_903 = arith.constant 0 : i32
      %eq3A_904 = arith.cmpi eq, %jit3A_902, %eq3A_903 : i32
      %jit3A_905 = arith.constant 1 : i32
      %select_n3A_906 = arith.select %eq3A_904, %jit3A_905, %jit3A_902 : i32
      %rem3A_907 = arith.remsi %add3A_877, %select_n3A_906 : i32
      %ne3A_908 = arith.constant 0 : i32
      %ne3A_909 = arith.cmpi ne, %rem3A_907, %ne3A_908 : i32
      %lt3A_910 = arith.constant 0 : i32
      %lt3A_911 = arith.cmpi slt, %rem3A_907, %lt3A_910 : i32
      %lt3A_912 = arith.constant 0 : i32
      %lt3A_913 = arith.cmpi slt, %select_n3A_906, %lt3A_912 : i32
      %ne3A_914 = arith.xori %lt3A_911, %lt3A_913 : i1
      %and3A_915 = arith.andi %ne3A_914, %ne3A_909 : i1
      %add3A_916 = arith.addi %rem3A_907, %select_n3A_906 : i32
      %select_n3A_917 = arith.select %and3A_915, %add3A_916, %rem3A_907 : i32
      %mul3A_918 = arith.constant 128 : i32
      %mul3A_919 = arith.muli %select_n3A_917, %mul3A_918 : i32
      %dma_start3A_920 = arith.constant 3 : i32
      %dma_start3A_921 = arith.constant 3 : i32
      %dma_start3A_922 = arith.constant 0 : i32
      %dma_start3A_923 = arith.constant 0 : i32
      %dma_start3A_924 = tpu.memref_slice %arg6[%dma_start3A_920, %dma_start3A_922, %dma_start3A_923] : memref<4x128x128xf32, #tpu.memory_space<vmem>> -> memref<1x128x128xf32, #tpu.memory_space<vmem>>
      %dma_start3A_925 = tpu.memref_squeeze %dma_start3A_924 : memref<1x128x128xf32, #tpu.memory_space<vmem>> -> memref<128x128xf32, #tpu.memory_space<vmem>>
      %dma_start3A_926 = tpu.memref_slice %arg5[%select_n3A_901, %mul3A_919] : memref<50x512xi32, #tpu.memory_space<vmem>> -> memref<1x128xi32, #tpu.memory_space<vmem>>
      %dma_start3A_927 = tpu.memref_squeeze %dma_start3A_926 : memref<1x128xi32, #tpu.memory_space<vmem>> -> memref<128xi32, #tpu.memory_space<vmem>>
      %dma_start3A_928 = arith.constant 0 : i32
      %dma_start3A_929 = arith.constant 0 : i32
      %dma_start3A_930 = tpu.memref_slice %arg3[%dma_start3A_928, %dma_start3A_929] : memref<100000x128xf32, #tpu.memory_space<hbm>> -> memref<100000x128xf32, #tpu.memory_space<hbm>>
      %dma_start3A_931 = tpu.memref_slice %arg7[%dma_start3A_921] : memref<4x!tpu.dma_semaphore, #tpu.memory_space<semaphore_mem>> -> memref<1x!tpu.dma_semaphore, #tpu.memory_space<semaphore_mem>>
      %dma_start3A_932 = tpu.memref_squeeze %dma_start3A_931 : memref<1x!tpu.dma_semaphore, #tpu.memory_space<semaphore_mem>> -> memref<!tpu.dma_semaphore, #tpu.memory_space<semaphore_mem>>
      tpu.enqueue_indirect_dma source(%dma_start3A_930 : memref<100000x128xf32, #tpu.memory_space<hbm>>) target(%dma_start3A_925 : memref<128x128xf32, #tpu.memory_space<vmem>>) offsets(%dma_start3A_927 : memref<128xi32, #tpu.memory_space<vmem>>) semaphore(%dma_start3A_932 : memref<!tpu.dma_semaphore, #tpu.memory_space<semaphore_mem>>)
    }
    %scan3A_66 = arith.constant 49 : i32
    %dma_wait3A = arith.constant 0 : i32
    %dma_wait3A_67 = arith.constant 0 : i32
    %dma_wait3A_68 = arith.constant 0 : i32
    %dma_wait3A_69 = arith.constant 0 : i32
    %dma_wait3A_70 = arith.constant 0 : i32
    %dma_wait3A_71 = tpu.memref_slice %arg6[%dma_wait3A_67, %dma_wait3A_69, %dma_wait3A_70] : memref<4x128x128xf32, #tpu.memory_space<vmem>> -> memref<1x128x128xf32, #tpu.memory_space<vmem>>
    %dma_wait3A_72 = tpu.memref_squeeze %dma_wait3A_71 : memref<1x128x128xf32, #tpu.memory_space<vmem>> -> memref<128x128xf32, #tpu.memory_space<vmem>>
    %dma_wait3A_73 = arith.constant 0 : i32
    %dma_wait3A_74 = tpu.memref_slice %arg5[%dma_wait3A, %dma_wait3A_73] : memref<50x512xi32, #tpu.memory_space<vmem>> -> memref<1x128xi32, #tpu.memory_space<vmem>>
    %dma_wait3A_75 = tpu.memref_squeeze %dma_wait3A_74 : memref<1x128xi32, #tpu.memory_space<vmem>> -> memref<128xi32, #tpu.memory_space<vmem>>
    %dma_wait3A_76 = arith.constant 0 : i32
    %dma_wait3A_77 = arith.constant 0 : i32
    %dma_wait3A_78 = tpu.memref_slice %arg3[%dma_wait3A_76, %dma_wait3A_77] : memref<100000x128xf32, #tpu.memory_space<hbm>> -> memref<100000x128xf32, #tpu.memory_space<hbm>>
    %dma_wait3A_79 = tpu.memref_slice %arg7[%dma_wait3A_68] : memref<4x!tpu.dma_semaphore, #tpu.memory_space<semaphore_mem>> -> memref<1x!tpu.dma_semaphore, #tpu.memory_space<semaphore_mem>>
    %dma_wait3A_80 = tpu.memref_squeeze %dma_wait3A_79 : memref<1x!tpu.dma_semaphore, #tpu.memory_space<semaphore_mem>> -> memref<!tpu.dma_semaphore, #tpu.memory_space<semaphore_mem>>
    tpu.wait_indirect_dma semaphore(%dma_wait3A_80 : memref<!tpu.dma_semaphore, #tpu.memory_space<semaphore_mem>>) src(%dma_wait3A_78 : memref<100000x128xf32, #tpu.memory_space<hbm>>) dst(%dma_wait3A_72 : memref<128x128xf32, #tpu.memory_space<vmem>>)
    %add3A_81 = arith.constant 0 : i32
    %add3A_82 = arith.addi %mul3A_2, %add3A_81 : i32
    %dma_start3A_83 = arith.constant 0 : i32
    %dma_start3A_84 = arith.constant 49 : i32
    %dma_start3A_85 = arith.constant 0 : i32
    %dma_start3A_86 = arith.constant 0 : i32
    %dma_start3A_87 = arith.constant 0 : i32
    %dma_start3A_88 = tpu.memref_slice %arg6[%dma_start3A_83, %dma_start3A_86, %dma_start3A_87] : memref<4x128x128xf32, #tpu.memory_space<vmem>> -> memref<1x128x128xf32, #tpu.memory_space<vmem>>
    %dma_start3A_89 = tpu.memref_squeeze %dma_start3A_88 : memref<1x128x128xf32, #tpu.memory_space<vmem>> -> memref<128x128xf32, #tpu.memory_space<vmem>>
    %dma_start3A_90 = arith.constant 0 : i32
    %dma_start3A_91 = tpu.memref_slice %arg4[%dma_start3A_84, %add3A_82, %dma_start3A_90] : memref<50x16384x128xf32, #tpu.memory_space<hbm>> -> memref<1x128x128xf32, #tpu.memory_space<hbm>>
    %dma_start3A_92 = tpu.memref_squeeze %dma_start3A_91 : memref<1x128x128xf32, #tpu.memory_space<hbm>> -> memref<128x128xf32, #tpu.memory_space<hbm>>
    %dma_start3A_93 = tpu.memref_slice %arg8[%dma_start3A_85] : memref<4x!tpu.dma_semaphore, #tpu.memory_space<semaphore_mem>> -> memref<1x!tpu.dma_semaphore, #tpu.memory_space<semaphore_mem>>
    %dma_start3A_94 = tpu.memref_squeeze %dma_start3A_93 : memref<1x!tpu.dma_semaphore, #tpu.memory_space<semaphore_mem>> -> memref<!tpu.dma_semaphore, #tpu.memory_space<semaphore_mem>>
    %dma_start3A_95 = arith.constant 0 : i32
    %dma_start3A_96 = tpu.memref_slice %arg4[%dma_start3A_84, %add3A_82, %dma_start3A_95] : memref<50x16384x128xf32, #tpu.memory_space<hbm>> -> memref<1x128x128xf32, #tpu.memory_space<hbm>>
    %dma_start3A_97 = tpu.memref_squeeze %dma_start3A_96 : memref<1x128x128xf32, #tpu.memory_space<hbm>> -> memref<128x128xf32, #tpu.memory_space<hbm>>
    %dma_start3A_98 = arith.constant 0 : i32
    %dma_start3A_99 = arith.constant 0 : i32
    %dma_start3A_100 = tpu.memref_slice %arg6[%dma_start3A_83, %dma_start3A_98, %dma_start3A_99] : memref<4x128x128xf32, #tpu.memory_space<vmem>> -> memref<1x128x128xf32, #tpu.memory_space<vmem>>
    %dma_start3A_101 = tpu.memref_squeeze %dma_start3A_100 : memref<1x128x128xf32, #tpu.memory_space<vmem>> -> memref<128x128xf32, #tpu.memory_space<vmem>>
    tpu.enqueue_dma source(%dma_start3A_101 : memref<128x128xf32, #tpu.memory_space<vmem>>) target(%dma_start3A_97 : memref<128x128xf32, #tpu.memory_space<hbm>>) target_semaphore(%dma_start3A_94 : memref<!tpu.dma_semaphore, #tpu.memory_space<semaphore_mem>>)
    %dma_wait3A_102 = arith.constant 0 : i32
    %dma_wait3A_103 = arith.constant 1 : i32
    %dma_wait3A_104 = arith.constant 1 : i32
    %dma_wait3A_105 = arith.constant 0 : i32
    %dma_wait3A_106 = arith.constant 0 : i32
    %dma_wait3A_107 = tpu.memref_slice %arg6[%dma_wait3A_103, %dma_wait3A_105, %dma_wait3A_106] : memref<4x128x128xf32, #tpu.memory_space<vmem>> -> memref<1x128x128xf32, #tpu.memory_space<vmem>>
    %dma_wait3A_108 = tpu.memref_squeeze %dma_wait3A_107 : memref<1x128x128xf32, #tpu.memory_space<vmem>> -> memref<128x128xf32, #tpu.memory_space<vmem>>
    %dma_wait3A_109 = arith.constant 0 : i32
    %dma_wait3A_110 = tpu.memref_slice %arg5[%dma_wait3A_102, %dma_wait3A_109] : memref<50x512xi32, #tpu.memory_space<vmem>> -> memref<1x128xi32, #tpu.memory_space<vmem>>
    %dma_wait3A_111 = tpu.memref_squeeze %dma_wait3A_110 : memref<1x128xi32, #tpu.memory_space<vmem>> -> memref<128xi32, #tpu.memory_space<vmem>>
    %dma_wait3A_112 = arith.constant 0 : i32
    %dma_wait3A_113 = arith.constant 0 : i32
    %dma_wait3A_114 = tpu.memref_slice %arg3[%dma_wait3A_112, %dma_wait3A_113] : memref<100000x128xf32, #tpu.memory_space<hbm>> -> memref<100000x128xf32, #tpu.memory_space<hbm>>
    %dma_wait3A_115 = tpu.memref_slice %arg7[%dma_wait3A_104] : memref<4x!tpu.dma_semaphore, #tpu.memory_space<semaphore_mem>> -> memref<1x!tpu.dma_semaphore, #tpu.memory_space<semaphore_mem>>
    %dma_wait3A_116 = tpu.memref_squeeze %dma_wait3A_115 : memref<1x!tpu.dma_semaphore, #tpu.memory_space<semaphore_mem>> -> memref<!tpu.dma_semaphore, #tpu.memory_space<semaphore_mem>>
    tpu.wait_indirect_dma semaphore(%dma_wait3A_116 : memref<!tpu.dma_semaphore, #tpu.memory_space<semaphore_mem>>) src(%dma_wait3A_114 : memref<100000x128xf32, #tpu.memory_space<hbm>>) dst(%dma_wait3A_108 : memref<128x128xf32, #tpu.memory_space<vmem>>)
    %add3A_117 = arith.constant 128 : i32
    %add3A_118 = arith.addi %mul3A_2, %add3A_117 : i32
    %dma_start3A_119 = arith.constant 1 : i32
    %dma_start3A_120 = arith.constant 49 : i32
    %dma_start3A_121 = arith.constant 1 : i32
    %dma_start3A_122 = arith.constant 0 : i32
    %dma_start3A_123 = arith.constant 0 : i32
    %dma_start3A_124 = tpu.memref_slice %arg6[%dma_start3A_119, %dma_start3A_122, %dma_start3A_123] : memref<4x128x128xf32, #tpu.memory_space<vmem>> -> memref<1x128x128xf32, #tpu.memory_space<vmem>>
    %dma_start3A_125 = tpu.memref_squeeze %dma_start3A_124 : memref<1x128x128xf32, #tpu.memory_space<vmem>> -> memref<128x128xf32, #tpu.memory_space<vmem>>
    %dma_start3A_126 = arith.constant 0 : i32
    %dma_start3A_127 = tpu.memref_slice %arg4[%dma_start3A_120, %add3A_118, %dma_start3A_126] : memref<50x16384x128xf32, #tpu.memory_space<hbm>> -> memref<1x128x128xf32, #tpu.memory_space<hbm>>
    %dma_start3A_128 = tpu.memref_squeeze %dma_start3A_127 : memref<1x128x128xf32, #tpu.memory_space<hbm>> -> memref<128x128xf32, #tpu.memory_space<hbm>>
    %dma_start3A_129 = tpu.memref_slice %arg8[%dma_start3A_121] : memref<4x!tpu.dma_semaphore, #tpu.memory_space<semaphore_mem>> -> memref<1x!tpu.dma_semaphore, #tpu.memory_space<semaphore_mem>>
    %dma_start3A_130 = tpu.memref_squeeze %dma_start3A_129 : memref<1x!tpu.dma_semaphore, #tpu.memory_space<semaphore_mem>> -> memref<!tpu.dma_semaphore, #tpu.memory_space<semaphore_mem>>
    %dma_start3A_131 = arith.constant 0 : i32
    %dma_start3A_132 = tpu.memref_slice %arg4[%dma_start3A_120, %add3A_118, %dma_start3A_131] : memref<50x16384x128xf32, #tpu.memory_space<hbm>> -> memref<1x128x128xf32, #tpu.memory_space<hbm>>
    %dma_start3A_133 = tpu.memref_squeeze %dma_start3A_132 : memref<1x128x128xf32, #tpu.memory_space<hbm>> -> memref<128x128xf32, #tpu.memory_space<hbm>>
    %dma_start3A_134 = arith.constant 0 : i32
    %dma_start3A_135 = arith.constant 0 : i32
    %dma_start3A_136 = tpu.memref_slice %arg6[%dma_start3A_119, %dma_start3A_134, %dma_start3A_135] : memref<4x128x128xf32, #tpu.memory_space<vmem>> -> memref<1x128x128xf32, #tpu.memory_space<vmem>>
    %dma_start3A_137 = tpu.memref_squeeze %dma_start3A_136 : memref<1x128x128xf32, #tpu.memory_space<vmem>> -> memref<128x128xf32, #tpu.memory_space<vmem>>
    tpu.enqueue_dma source(%dma_start3A_137 : memref<128x128xf32, #tpu.memory_space<vmem>>) target(%dma_start3A_133 : memref<128x128xf32, #tpu.memory_space<hbm>>) target_semaphore(%dma_start3A_130 : memref<!tpu.dma_semaphore, #tpu.memory_space<semaphore_mem>>)
    %dma_wait3A_138 = arith.constant 0 : i32
    %dma_wait3A_139 = arith.constant 2 : i32
    %dma_wait3A_140 = arith.constant 2 : i32
    %dma_wait3A_141 = arith.constant 0 : i32
    %dma_wait3A_142 = arith.constant 0 : i32
    %dma_wait3A_143 = tpu.memref_slice %arg6[%dma_wait3A_139, %dma_wait3A_141, %dma_wait3A_142] : memref<4x128x128xf32, #tpu.memory_space<vmem>> -> memref<1x128x128xf32, #tpu.memory_space<vmem>>
    %dma_wait3A_144 = tpu.memref_squeeze %dma_wait3A_143 : memref<1x128x128xf32, #tpu.memory_space<vmem>> -> memref<128x128xf32, #tpu.memory_space<vmem>>
    %dma_wait3A_145 = arith.constant 0 : i32
    %dma_wait3A_146 = tpu.memref_slice %arg5[%dma_wait3A_138, %dma_wait3A_145] : memref<50x512xi32, #tpu.memory_space<vmem>> -> memref<1x128xi32, #tpu.memory_space<vmem>>
    %dma_wait3A_147 = tpu.memref_squeeze %dma_wait3A_146 : memref<1x128xi32, #tpu.memory_space<vmem>> -> memref<128xi32, #tpu.memory_space<vmem>>
    %dma_wait3A_148 = arith.constant 0 : i32
    %dma_wait3A_149 = arith.constant 0 : i32
    %dma_wait3A_150 = tpu.memref_slice %arg3[%dma_wait3A_148, %dma_wait3A_149] : memref<100000x128xf32, #tpu.memory_space<hbm>> -> memref<100000x128xf32, #tpu.memory_space<hbm>>
    %dma_wait3A_151 = tpu.memref_slice %arg7[%dma_wait3A_140] : memref<4x!tpu.dma_semaphore, #tpu.memory_space<semaphore_mem>> -> memref<1x!tpu.dma_semaphore, #tpu.memory_space<semaphore_mem>>
    %dma_wait3A_152 = tpu.memref_squeeze %dma_wait3A_151 : memref<1x!tpu.dma_semaphore, #tpu.memory_space<semaphore_mem>> -> memref<!tpu.dma_semaphore, #tpu.memory_space<semaphore_mem>>
    tpu.wait_indirect_dma semaphore(%dma_wait3A_152 : memref<!tpu.dma_semaphore, #tpu.memory_space<semaphore_mem>>) src(%dma_wait3A_150 : memref<100000x128xf32, #tpu.memory_space<hbm>>) dst(%dma_wait3A_144 : memref<128x128xf32, #tpu.memory_space<vmem>>)
    %add3A_153 = arith.constant 256 : i32
    %add3A_154 = arith.addi %mul3A_2, %add3A_153 : i32
    %dma_start3A_155 = arith.constant 2 : i32
    %dma_start3A_156 = arith.constant 49 : i32
    %dma_start3A_157 = arith.constant 2 : i32
    %dma_start3A_158 = arith.constant 0 : i32
    %dma_start3A_159 = arith.constant 0 : i32
    %dma_start3A_160 = tpu.memref_slice %arg6[%dma_start3A_155, %dma_start3A_158, %dma_start3A_159] : memref<4x128x128xf32, #tpu.memory_space<vmem>> -> memref<1x128x128xf32, #tpu.memory_space<vmem>>
    %dma_start3A_161 = tpu.memref_squeeze %dma_start3A_160 : memref<1x128x128xf32, #tpu.memory_space<vmem>> -> memref<128x128xf32, #tpu.memory_space<vmem>>
    %dma_start3A_162 = arith.constant 0 : i32
    %dma_start3A_163 = tpu.memref_slice %arg4[%dma_start3A_156, %add3A_154, %dma_start3A_162] : memref<50x16384x128xf32, #tpu.memory_space<hbm>> -> memref<1x128x128xf32, #tpu.memory_space<hbm>>
    %dma_start3A_164 = tpu.memref_squeeze %dma_start3A_163 : memref<1x128x128xf32, #tpu.memory_space<hbm>> -> memref<128x128xf32, #tpu.memory_space<hbm>>
    %dma_start3A_165 = tpu.memref_slice %arg8[%dma_start3A_157] : memref<4x!tpu.dma_semaphore, #tpu.memory_space<semaphore_mem>> -> memref<1x!tpu.dma_semaphore, #tpu.memory_space<semaphore_mem>>
    %dma_start3A_166 = tpu.memref_squeeze %dma_start3A_165 : memref<1x!tpu.dma_semaphore, #tpu.memory_space<semaphore_mem>> -> memref<!tpu.dma_semaphore, #tpu.memory_space<semaphore_mem>>
    %dma_start3A_167 = arith.constant 0 : i32
    %dma_start3A_168 = tpu.memref_slice %arg4[%dma_start3A_156, %add3A_154, %dma_start3A_167] : memref<50x16384x128xf32, #tpu.memory_space<hbm>> -> memref<1x128x128xf32, #tpu.memory_space<hbm>>
    %dma_start3A_169 = tpu.memref_squeeze %dma_start3A_168 : memref<1x128x128xf32, #tpu.memory_space<hbm>> -> memref<128x128xf32, #tpu.memory_space<hbm>>
    %dma_start3A_170 = arith.constant 0 : i32
    %dma_start3A_171 = arith.constant 0 : i32
    %dma_start3A_172 = tpu.memref_slice %arg6[%dma_start3A_155, %dma_start3A_170, %dma_start3A_171] : memref<4x128x128xf32, #tpu.memory_space<vmem>> -> memref<1x128x128xf32, #tpu.memory_space<vmem>>
    %dma_start3A_173 = tpu.memref_squeeze %dma_start3A_172 : memref<1x128x128xf32, #tpu.memory_space<vmem>> -> memref<128x128xf32, #tpu.memory_space<vmem>>
    tpu.enqueue_dma source(%dma_start3A_173 : memref<128x128xf32, #tpu.memory_space<vmem>>) target(%dma_start3A_169 : memref<128x128xf32, #tpu.memory_space<hbm>>) target_semaphore(%dma_start3A_166 : memref<!tpu.dma_semaphore, #tpu.memory_space<semaphore_mem>>)
    %dma_wait3A_174 = arith.constant 0 : i32
    %dma_wait3A_175 = arith.constant 3 : i32
    %dma_wait3A_176 = arith.constant 3 : i32
    %dma_wait3A_177 = arith.constant 0 : i32
    %dma_wait3A_178 = arith.constant 0 : i32
    %dma_wait3A_179 = tpu.memref_slice %arg6[%dma_wait3A_175, %dma_wait3A_177, %dma_wait3A_178] : memref<4x128x128xf32, #tpu.memory_space<vmem>> -> memref<1x128x128xf32, #tpu.memory_space<vmem>>
    %dma_wait3A_180 = tpu.memref_squeeze %dma_wait3A_179 : memref<1x128x128xf32, #tpu.memory_space<vmem>> -> memref<128x128xf32, #tpu.memory_space<vmem>>
    %dma_wait3A_181 = arith.constant 0 : i32
    %dma_wait3A_182 = tpu.memref_slice %arg5[%dma_wait3A_174, %dma_wait3A_181] : memref<50x512xi32, #tpu.memory_space<vmem>> -> memref<1x128xi32, #tpu.memory_space<vmem>>
    %dma_wait3A_183 = tpu.memref_squeeze %dma_wait3A_182 : memref<1x128xi32, #tpu.memory_space<vmem>> -> memref<128xi32, #tpu.memory_space<vmem>>
    %dma_wait3A_184 = arith.constant 0 : i32
    %dma_wait3A_185 = arith.constant 0 : i32
    %dma_wait3A_186 = tpu.memref_slice %arg3[%dma_wait3A_184, %dma_wait3A_185] : memref<100000x128xf32, #tpu.memory_space<hbm>> -> memref<100000x128xf32, #tpu.memory_space<hbm>>
    %dma_wait3A_187 = tpu.memref_slice %arg7[%dma_wait3A_176] : memref<4x!tpu.dma_semaphore, #tpu.memory_space<semaphore_mem>> -> memref<1x!tpu.dma_semaphore, #tpu.memory_space<semaphore_mem>>
    %dma_wait3A_188 = tpu.memref_squeeze %dma_wait3A_187 : memref<1x!tpu.dma_semaphore, #tpu.memory_space<semaphore_mem>> -> memref<!tpu.dma_semaphore, #tpu.memory_space<semaphore_mem>>
    tpu.wait_indirect_dma semaphore(%dma_wait3A_188 : memref<!tpu.dma_semaphore, #tpu.memory_space<semaphore_mem>>) src(%dma_wait3A_186 : memref<100000x128xf32, #tpu.memory_space<hbm>>) dst(%dma_wait3A_180 : memref<128x128xf32, #tpu.memory_space<vmem>>)
    %add3A_189 = arith.constant 384 : i32
    %add3A_190 = arith.addi %mul3A_2, %add3A_189 : i32
    %dma_start3A_191 = arith.constant 3 : i32
    %dma_start3A_192 = arith.constant 49 : i32
    %dma_start3A_193 = arith.constant 3 : i32
    %dma_start3A_194 = arith.constant 0 : i32
    %dma_start3A_195 = arith.constant 0 : i32
    %dma_start3A_196 = tpu.memref_slice %arg6[%dma_start3A_191, %dma_start3A_194, %dma_start3A_195] : memref<4x128x128xf32, #tpu.memory_space<vmem>> -> memref<1x128x128xf32, #tpu.memory_space<vmem>>
    %dma_start3A_197 = tpu.memref_squeeze %dma_start3A_196 : memref<1x128x128xf32, #tpu.memory_space<vmem>> -> memref<128x128xf32, #tpu.memory_space<vmem>>
    %dma_start3A_198 = arith.constant 0 : i32
    %dma_start3A_199 = tpu.memref_slice %arg4[%dma_start3A_192, %add3A_190, %dma_start3A_198] : memref<50x16384x128xf32, #tpu.memory_space<hbm>> -> memref<1x128x128xf32, #tpu.memory_space<hbm>>
    %dma_start3A_200 = tpu.memref_squeeze %dma_start3A_199 : memref<1x128x128xf32, #tpu.memory_space<hbm>> -> memref<128x128xf32, #tpu.memory_space<hbm>>
    %dma_start3A_201 = tpu.memref_slice %arg8[%dma_start3A_193] : memref<4x!tpu.dma_semaphore, #tpu.memory_space<semaphore_mem>> -> memref<1x!tpu.dma_semaphore, #tpu.memory_space<semaphore_mem>>
    %dma_start3A_202 = tpu.memref_squeeze %dma_start3A_201 : memref<1x!tpu.dma_semaphore, #tpu.memory_space<semaphore_mem>> -> memref<!tpu.dma_semaphore, #tpu.memory_space<semaphore_mem>>
    %dma_start3A_203 = arith.constant 0 : i32
    %dma_start3A_204 = tpu.memref_slice %arg4[%dma_start3A_192, %add3A_190, %dma_start3A_203] : memref<50x16384x128xf32, #tpu.memory_space<hbm>> -> memref<1x128x128xf32, #tpu.memory_space<hbm>>
    %dma_start3A_205 = tpu.memref_squeeze %dma_start3A_204 : memref<1x128x128xf32, #tpu.memory_space<hbm>> -> memref<128x128xf32, #tpu.memory_space<hbm>>
    %dma_start3A_206 = arith.constant 0 : i32
    %dma_start3A_207 = arith.constant 0 : i32
    %dma_start3A_208 = tpu.memref_slice %arg6[%dma_start3A_191, %dma_start3A_206, %dma_start3A_207] : memref<4x128x128xf32, #tpu.memory_space<vmem>> -> memref<1x128x128xf32, #tpu.memory_space<vmem>>
    %dma_start3A_209 = tpu.memref_squeeze %dma_start3A_208 : memref<1x128x128xf32, #tpu.memory_space<vmem>> -> memref<128x128xf32, #tpu.memory_space<vmem>>
    tpu.enqueue_dma source(%dma_start3A_209 : memref<128x128xf32, #tpu.memory_space<vmem>>) target(%dma_start3A_205 : memref<128x128xf32, #tpu.memory_space<hbm>>) target_semaphore(%dma_start3A_202 : memref<!tpu.dma_semaphore, #tpu.memory_space<semaphore_mem>>)
    %dma_wait3A_210 = arith.constant 0 : i32
    %dma_wait3A_211 = arith.constant 0 : i32
    %dma_wait3A_212 = arith.constant 0 : i32
    %dma_wait3A_213 = arith.constant 0 : i32
    %dma_wait3A_214 = arith.constant 0 : i32
    %dma_wait3A_215 = tpu.memref_slice %arg6[%dma_wait3A_210, %dma_wait3A_213, %dma_wait3A_214] : memref<4x128x128xf32, #tpu.memory_space<vmem>> -> memref<1x128x128xf32, #tpu.memory_space<vmem>>
    %dma_wait3A_216 = tpu.memref_squeeze %dma_wait3A_215 : memref<1x128x128xf32, #tpu.memory_space<vmem>> -> memref<128x128xf32, #tpu.memory_space<vmem>>
    %dma_wait3A_217 = arith.constant 0 : i32
    %dma_wait3A_218 = arith.constant 0 : i32
    %dma_wait3A_219 = tpu.memref_slice %arg4[%dma_wait3A_211, %dma_wait3A_217, %dma_wait3A_218] : memref<50x16384x128xf32, #tpu.memory_space<hbm>> -> memref<1x128x128xf32, #tpu.memory_space<hbm>>
    %dma_wait3A_220 = tpu.memref_squeeze %dma_wait3A_219 : memref<1x128x128xf32, #tpu.memory_space<hbm>> -> memref<128x128xf32, #tpu.memory_space<hbm>>
    %dma_wait3A_221 = tpu.memref_slice %arg8[%dma_wait3A_212] : memref<4x!tpu.dma_semaphore, #tpu.memory_space<semaphore_mem>> -> memref<1x!tpu.dma_semaphore, #tpu.memory_space<semaphore_mem>>
    %dma_wait3A_222 = tpu.memref_squeeze %dma_wait3A_221 : memref<1x!tpu.dma_semaphore, #tpu.memory_space<semaphore_mem>> -> memref<!tpu.dma_semaphore, #tpu.memory_space<semaphore_mem>>
    %dma_wait3A_223 = arith.constant 0 : i32
    %dma_wait3A_224 = arith.constant 0 : i32
    %dma_wait3A_225 = tpu.memref_slice %arg4[%dma_wait3A_211, %dma_wait3A_223, %dma_wait3A_224] : memref<50x16384x128xf32, #tpu.memory_space<hbm>> -> memref<1x128x128xf32, #tpu.memory_space<hbm>>
    %dma_wait3A_226 = tpu.memref_squeeze %dma_wait3A_225 : memref<1x128x128xf32, #tpu.memory_space<hbm>> -> memref<128x128xf32, #tpu.memory_space<hbm>>
    %dma_wait3A_227 = arith.constant 0 : i32
    %dma_wait3A_228 = arith.constant 0 : i32
    %dma_wait3A_229 = tpu.memref_slice %arg6[%dma_wait3A_210, %dma_wait3A_227, %dma_wait3A_228] : memref<4x128x128xf32, #tpu.memory_space<vmem>> -> memref<1x128x128xf32, #tpu.memory_space<vmem>>
    %dma_wait3A_230 = tpu.memref_squeeze %dma_wait3A_229 : memref<1x128x128xf32, #tpu.memory_space<vmem>> -> memref<128x128xf32, #tpu.memory_space<vmem>>
    tpu.wait_dma2 semaphore(%dma_wait3A_222 : memref<!tpu.dma_semaphore, #tpu.memory_space<semaphore_mem>>) src(%dma_wait3A_230 : memref<128x128xf32, #tpu.memory_space<vmem>>) dst(%dma_wait3A_226 : memref<128x128xf32, #tpu.memory_space<hbm>>)
    %dma_wait3A_231 = arith.constant 1 : i32
    %dma_wait3A_232 = arith.constant 0 : i32
    %dma_wait3A_233 = arith.constant 1 : i32
    %dma_wait3A_234 = arith.constant 0 : i32
    %dma_wait3A_235 = arith.constant 0 : i32
    %dma_wait3A_236 = tpu.memref_slice %arg6[%dma_wait3A_231, %dma_wait3A_234, %dma_wait3A_235] : memref<4x128x128xf32, #tpu.memory_space<vmem>> -> memref<1x128x128xf32, #tpu.memory_space<vmem>>
    %dma_wait3A_237 = tpu.memref_squeeze %dma_wait3A_236 : memref<1x128x128xf32, #tpu.memory_space<vmem>> -> memref<128x128xf32, #tpu.memory_space<vmem>>
    %dma_wait3A_238 = arith.constant 0 : i32
    %dma_wait3A_239 = arith.constant 0 : i32
    %dma_wait3A_240 = tpu.memref_slice %arg4[%dma_wait3A_232, %dma_wait3A_238, %dma_wait3A_239] : memref<50x16384x128xf32, #tpu.memory_space<hbm>> -> memref<1x128x128xf32, #tpu.memory_space<hbm>>
    %dma_wait3A_241 = tpu.memref_squeeze %dma_wait3A_240 : memref<1x128x128xf32, #tpu.memory_space<hbm>> -> memref<128x128xf32, #tpu.memory_space<hbm>>
    %dma_wait3A_242 = tpu.memref_slice %arg8[%dma_wait3A_233] : memref<4x!tpu.dma_semaphore, #tpu.memory_space<semaphore_mem>> -> memref<1x!tpu.dma_semaphore, #tpu.memory_space<semaphore_mem>>
    %dma_wait3A_243 = tpu.memref_squeeze %dma_wait3A_242 : memref<1x!tpu.dma_semaphore, #tpu.memory_space<semaphore_mem>> -> memref<!tpu.dma_semaphore, #tpu.memory_space<semaphore_mem>>
    %dma_wait3A_244 = arith.constant 0 : i32
    %dma_wait3A_245 = arith.constant 0 : i32
    %dma_wait3A_246 = tpu.memref_slice %arg4[%dma_wait3A_232, %dma_wait3A_244, %dma_wait3A_245] : memref<50x16384x128xf32, #tpu.memory_space<hbm>> -> memref<1x128x128xf32, #tpu.memory_space<hbm>>
    %dma_wait3A_247 = tpu.memref_squeeze %dma_wait3A_246 : memref<1x128x128xf32, #tpu.memory_space<hbm>> -> memref<128x128xf32, #tpu.memory_space<hbm>>
    %dma_wait3A_248 = arith.constant 0 : i32
    %dma_wait3A_249 = arith.constant 0 : i32
    %dma_wait3A_250 = tpu.memref_slice %arg6[%dma_wait3A_231, %dma_wait3A_248, %dma_wait3A_249] : memref<4x128x128xf32, #tpu.memory_space<vmem>> -> memref<1x128x128xf32, #tpu.memory_space<vmem>>
    %dma_wait3A_251 = tpu.memref_squeeze %dma_wait3A_250 : memref<1x128x128xf32, #tpu.memory_space<vmem>> -> memref<128x128xf32, #tpu.memory_space<vmem>>
    tpu.wait_dma2 semaphore(%dma_wait3A_243 : memref<!tpu.dma_semaphore, #tpu.memory_space<semaphore_mem>>) src(%dma_wait3A_251 : memref<128x128xf32, #tpu.memory_space<vmem>>) dst(%dma_wait3A_247 : memref<128x128xf32, #tpu.memory_space<hbm>>)
    %dma_wait3A_252 = arith.constant 2 : i32
    %dma_wait3A_253 = arith.constant 0 : i32
    %dma_wait3A_254 = arith.constant 2 : i32
    %dma_wait3A_255 = arith.constant 0 : i32
    %dma_wait3A_256 = arith.constant 0 : i32
    %dma_wait3A_257 = tpu.memref_slice %arg6[%dma_wait3A_252, %dma_wait3A_255, %dma_wait3A_256] : memref<4x128x128xf32, #tpu.memory_space<vmem>> -> memref<1x128x128xf32, #tpu.memory_space<vmem>>
    %dma_wait3A_258 = tpu.memref_squeeze %dma_wait3A_257 : memref<1x128x128xf32, #tpu.memory_space<vmem>> -> memref<128x128xf32, #tpu.memory_space<vmem>>
    %dma_wait3A_259 = arith.constant 0 : i32
    %dma_wait3A_260 = arith.constant 0 : i32
    %dma_wait3A_261 = tpu.memref_slice %arg4[%dma_wait3A_253, %dma_wait3A_259, %dma_wait3A_260] : memref<50x16384x128xf32, #tpu.memory_space<hbm>> -> memref<1x128x128xf32, #tpu.memory_space<hbm>>
    %dma_wait3A_262 = tpu.memref_squeeze %dma_wait3A_261 : memref<1x128x128xf32, #tpu.memory_space<hbm>> -> memref<128x128xf32, #tpu.memory_space<hbm>>
    %dma_wait3A_263 = tpu.memref_slice %arg8[%dma_wait3A_254] : memref<4x!tpu.dma_semaphore, #tpu.memory_space<semaphore_mem>> -> memref<1x!tpu.dma_semaphore, #tpu.memory_space<semaphore_mem>>
    %dma_wait3A_264 = tpu.memref_squeeze %dma_wait3A_263 : memref<1x!tpu.dma_semaphore, #tpu.memory_space<semaphore_mem>> -> memref<!tpu.dma_semaphore, #tpu.memory_space<semaphore_mem>>
    %dma_wait3A_265 = arith.constant 0 : i32
    %dma_wait3A_266 = arith.constant 0 : i32
    %dma_wait3A_267 = tpu.memref_slice %arg4[%dma_wait3A_253, %dma_wait3A_265, %dma_wait3A_266] : memref<50x16384x128xf32, #tpu.memory_space<hbm>> -> memref<1x128x128xf32, #tpu.memory_space<hbm>>
    %dma_wait3A_268 = tpu.memref_squeeze %dma_wait3A_267 : memref<1x128x128xf32, #tpu.memory_space<hbm>> -> memref<128x128xf32, #tpu.memory_space<hbm>>
    %dma_wait3A_269 = arith.constant 0 : i32
    %dma_wait3A_270 = arith.constant 0 : i32
    %dma_wait3A_271 = tpu.memref_slice %arg6[%dma_wait3A_252, %dma_wait3A_269, %dma_wait3A_270] : memref<4x128x128xf32, #tpu.memory_space<vmem>> -> memref<1x128x128xf32, #tpu.memory_space<vmem>>
    %dma_wait3A_272 = tpu.memref_squeeze %dma_wait3A_271 : memref<1x128x128xf32, #tpu.memory_space<vmem>> -> memref<128x128xf32, #tpu.memory_space<vmem>>
    tpu.wait_dma2 semaphore(%dma_wait3A_264 : memref<!tpu.dma_semaphore, #tpu.memory_space<semaphore_mem>>) src(%dma_wait3A_272 : memref<128x128xf32, #tpu.memory_space<vmem>>) dst(%dma_wait3A_268 : memref<128x128xf32, #tpu.memory_space<hbm>>)
    %dma_wait3A_273 = arith.constant 3 : i32
    %dma_wait3A_274 = arith.constant 0 : i32
    %dma_wait3A_275 = arith.constant 3 : i32
    %dma_wait3A_276 = arith.constant 0 : i32
    %dma_wait3A_277 = arith.constant 0 : i32
    %dma_wait3A_278 = tpu.memref_slice %arg6[%dma_wait3A_273, %dma_wait3A_276, %dma_wait3A_277] : memref<4x128x128xf32, #tpu.memory_space<vmem>> -> memref<1x128x128xf32, #tpu.memory_space<vmem>>
    %dma_wait3A_279 = tpu.memref_squeeze %dma_wait3A_278 : memref<1x128x128xf32, #tpu.memory_space<vmem>> -> memref<128x128xf32, #tpu.memory_space<vmem>>
    %dma_wait3A_280 = arith.constant 0 : i32
    %dma_wait3A_281 = arith.constant 0 : i32
    %dma_wait3A_282 = tpu.memref_slice %arg4[%dma_wait3A_274, %dma_wait3A_280, %dma_wait3A_281] : memref<50x16384x128xf32, #tpu.memory_space<hbm>> -> memref<1x128x128xf32, #tpu.memory_space<hbm>>
    %dma_wait3A_283 = tpu.memref_squeeze %dma_wait3A_282 : memref<1x128x128xf32, #tpu.memory_space<hbm>> -> memref<128x128xf32, #tpu.memory_space<hbm>>
    %dma_wait3A_284 = tpu.memref_slice %arg8[%dma_wait3A_275] : memref<4x!tpu.dma_semaphore, #tpu.memory_space<semaphore_mem>> -> memref<1x!tpu.dma_semaphore, #tpu.memory_space<semaphore_mem>>
    %dma_wait3A_285 = tpu.memref_squeeze %dma_wait3A_284 : memref<1x!tpu.dma_semaphore, #tpu.memory_space<semaphore_mem>> -> memref<!tpu.dma_semaphore, #tpu.memory_space<semaphore_mem>>
    %dma_wait3A_286 = arith.constant 0 : i32
    %dma_wait3A_287 = arith.constant 0 : i32
    %dma_wait3A_288 = tpu.memref_slice %arg4[%dma_wait3A_274, %dma_wait3A_286, %dma_wait3A_287] : memref<50x16384x128xf32, #tpu.memory_space<hbm>> -> memref<1x128x128xf32, #tpu.memory_space<hbm>>
    %dma_wait3A_289 = tpu.memref_squeeze %dma_wait3A_288 : memref<1x128x128xf32, #tpu.memory_space<hbm>> -> memref<128x128xf32, #tpu.memory_space<hbm>>
    %dma_wait3A_290 = arith.constant 0 : i32
    %dma_wait3A_291 = arith.constant 0 : i32
    %dma_wait3A_292 = tpu.memref_slice %arg6[%dma_wait3A_273, %dma_wait3A_290, %dma_wait3A_291] : memref<4x128x128xf32, #tpu.memory_space<vmem>> -> memref<1x128x128xf32, #tpu.memory_space<vmem>>
    %dma_wait3A_293 = tpu.memref_squeeze %dma_wait3A_292 : memref<1x128x128xf32, #tpu.memory_space<vmem>> -> memref<128x128xf32, #tpu.memory_space<vmem>>
    tpu.wait_dma2 semaphore(%dma_wait3A_285 : memref<!tpu.dma_semaphore, #tpu.memory_space<semaphore_mem>>) src(%dma_wait3A_293 : memref<128x128xf32, #tpu.memory_space<vmem>>) dst(%dma_wait3A_289 : memref<128x128xf32, #tpu.memory_space<hbm>>)
    return
  }
}

</mosaic_0001>

<sc_bundles>
// kernel: _embed.3.cloned.1.call-start
scs
__scs_entry_jumppad:
0x0: {  	(pc) =	sbr.rel $0x88, $3  }
0x1: {  	(tag) =	ssettag $0x0;
	lr =	simm.s32 $0x1  }
0x2: {  	[smem:$0x3F9F] =	sst lr;
	_ =	strace $0xD0000000  }
0x3: {  	_ = 	snop  }
0x4: {  	_ = 	snop  }
0x5: {  	_ = 	snop  }
0x6: {  	_ = 	snop  }
0x7: {  	_ = 	snop  }
__scs_overlays_trampoline_lowered:
0x8: {  	[smem:$0x3FAE] =	sst s0  }
0x9: {  	[smem:$0x3FAF] =	sst s1  }
0xa: {  	[smem:$0x3FB0] =	sst s2  }
0xb: {  	[smem:$0x3FB1] =	sst s3  }
0xc: {  	[smem:$0x3FB2] =	sst s4  }
0xd: {  	[smem:$0x3FB3] =	sst s5  }
0xe: {  	[smem:$0x3FB4] =	sst s6  }
0xf: {  	[smem:$0x3FB5] =	sst s7  }
0x10: {  	[smem:$0x3FB6] =	sst s8  }
0x11: {  	[smem:$0x3FB7] =	sst s9;
	s0 =	simm.s32 @!p0 $0x0  }
0x12: {  	s1 =	sld [smem:$0x3F9D];
	s0 =	simm.s32 @p0 $0x1  }
0x13: {  	[smem:$0x3FB8] =	sst s0;
	s0 =	simm.s32 @!p1 $0x0  }
0x14: {  	s2 =	sld [smem:$0x3F9C];
	s0 =	simm.s32 @p1 $0x1  }
0x15: {  	[smem:$0x3FB9] =	sst s0;
	s0 =	simm.s32 @!p2 $0x0  }
0x16: {  	s3 =	sld [smem:$0x3FDB];
	s0 =	simm.s32 @p2 $0x1  }
0x17: {  	s4 =	simm.s32 $0x1BF5;
	[smem:$0x3FBB] =	sst s0  }
0x18: {  	s0 =	sld [smem:$0x3F9E];
	_ =	swait.ge [sflag:s4], $0x0  }
0x19: {  	s7 =	sld [smem:$0x3F9F]  }
0x1a: {  	s8 =	sadd.s32 $0xFFFFE003, lr  }
0x1b: {  	s9 =	sadd.s32 $0xFFFFFEF7, lr;
	s5 =	simm.s32 $0xFFFFFFFF;
	p2 =	slt.u32 s8, $0xFFFFF086  }
0x1c: {  	p1 =	slt.u32 s9, $0xF7A;
	s5 =	simm.s32 @!p2 $0x0  }
0x1d: {  	s5 =	simm.s32 @p1 $0x1;
	p0 =	seq.s32 s7, s2  }
0x1e: {  	s7 =	smul.u32 @!p0 $0xF7A, s2;
	p2 =	seq.s32 @!p0 s5, $0x0  }
0x1f: {  	s9 =	smul.u32 $0xF7A, s1;
	s8 =	simm.s32 @!p0 $0x1BF5;
	p2 =	por !p2, p0  }
0x20: {  	[sflag:s8] =	ssyncset.s32 @!p0 $0xFFFFF086;
	s6 =	sadd.s32 @!p0 s3, s7;
	s7 =	simm.s32 @!p0 $0x108  }
0x21: {  	s3 =	sadd.s32 s3, s9;
	s6 =	sadd.s32 @!p0 $0x88, s6;
	s7 =	simm.s32 @p2 $0x1082  }
0x22: {  	[simem:s7], [sflag:s8] =	dma.local @!p0 [hbm:s6], $0xF7A  }
0x23: {  	s9 =	sor.u32 $0xD0000000, s2;
	s6 =	simm.s32 $0x108;
	_ =	swait.ge @!p0 [sflag:s8], $0x0  }
0x24: {  	s3 =	sadd.s32 $0x88, s3;
	s6 =	simm.s32 @!p1 $0x1082;
	[sflag:s4] =	ssyncset.s32 $0xFFFFF086  }
0x25: {  	[simem:s6], [sflag:s4] =	dma.local [hbm:s3], $0xF7A  }
0x26: {  	[smem:$0x3F9F] =	sst s1;
	(tag) =	ssettag s2;
	_ =	strace s9  }
0x27: {  	s1 =	sld [smem:$0x3FAF]  }
0x28: {  	s2 =	sld [smem:$0x3FB0]  }
0x29: {  	s4 =	sld [smem:$0x3FB2]  }
0x2a: {  	p0 =	seq.s32 s5, $0x0;
	s5 =	sld [smem:$0x3FB3]  }
0x2b: {  	s6 =	sld [smem:$0x3FB4]  }
0x2c: {  	s7 =	sld [smem:$0x3FB5]  }
0x2d: {  	s3 =	simm.s32 $0x108;
	s8 =	sld [smem:$0x3FB6]  }
0x2e: {  	s3 =	simm.s32 @!p0 $0x1082;
	s9 =	sld [smem:$0x3FB7]  }
0x2f: {  	lr =	sadd.s32 s0, s3;
	s0 =	sld [smem:$0x3FAE]  }
0x30: {  	s3 =	sld [smem:$0x3FB1]  }
0x31: {  	[smem:$0x3FBA] =	sst s10  }
0x32: {  	s10 =	sld [smem:$0x3FB8];
	_ =	sdelay $0x3  }
0x33: {  	p0 =	seq.s32 s10, $0x1;
	s10 =	sld [smem:$0x3FBA];
	_ =	sdelay $0x3  }
0x34: {  	[smem:$0x3FBA] =	sst s10  }
0x35: {  	s10 =	sld [smem:$0x3FB9];
	_ =	sdelay $0x3  }
0x36: {  	p1 =	seq.s32 s10, $0x1;
	s10 =	sld [smem:$0x3FBA];
	_ =	sdelay $0x3  }
0x37: {  	[smem:$0x3FBA] =	sst s10  }
0x38: {  	s10 =	sld [smem:$0x3FBB]  }
0x39: {  	_ = 	snop;
	(pc) =	sbr.ind lr, $3  }
0x3a: {  	_ = 	snop  }
0x3b: {  	_ = 	snop  }
0x3c: {  	p2 =	seq.s32 s10, $0x1;
	s10 =	sld [smem:$0x3FBA]  }
0x3d: {  	_ =	shalt  }
0x3e: {  	_ =	shalt  }
0x3f: {  	_ =	shalt  }
0x40: {  	_ =	shalt  }
0x41: {  	_ =	shalt  }
0x42: {  	_ =	shalt  }
0x43: {  	_ =	shalt  }
0x44: {  	_ =	shalt  }
0x45: {  	_ =	shalt  }
0x46: {  	_ =	shalt  }
0x47: {  	_ =	shalt  }
0x48: {  	_ =	shalt  }
0x49: {  	_ =	shalt  }
0x4a: {  	_ =	shalt  }
0x4b: {  	_ =	shalt  }
0x4c: {  	_ =	shalt  }
0x4d: {  	_ =	shalt  }
0x4e: {  	_ =	shalt  }
0x4f: {  	_ =	shalt  }
0x50: {  	_ =	shalt  }
0x51: {  	_ =	shalt  }
0x52: {  	_ =	shalt  }
0x53: {  	_ =	shalt  }
0x54: {  	_ =	shalt  }
0x55: {  	_ =	shalt  }
0x56: {  	_ =	shalt  }
0x57: {  	_ =	shalt  }
0x58: {  	_ =	shalt  }
0x59: {  	_ =	shalt  }
0x5a: {  	_ =	shalt  }
0x5b: {  	_ =	shalt  }
0x5c: {  	_ =	shalt  }
0x5d: {  	_ =	shalt  }
0x5e: {  	_ =	shalt  }
0x5f: {  	_ =	shalt  }
0x60: {  	_ =	shalt  }
0x61: {  	_ =	shalt  }
0x62: {  	_ =	shalt  }
0x63: {  	_ =	shalt  }
0x64: {  	_ =	shalt  }
0x65: {  	_ =	shalt  }
0x66: {  	_ =	shalt  }
0x67: {  	_ =	shalt  }
0x68: {  	_ =	shalt  }
0x69: {  	_ =	shalt  }
0x6a: {  	_ =	shalt  }
0x6b: {  	_ =	shalt  }
0x6c: {  	_ =	shalt  }
0x6d: {  	_ =	shalt  }
0x6e: {  	_ =	shalt  }
0x6f: {  	_ =	shalt  }
0x70: {  	_ =	shalt  }
0x71: {  	_ =	shalt  }
0x72: {  	_ =	shalt  }
0x73: {  	_ =	shalt  }
0x74: {  	_ =	shalt  }
0x75: {  	_ =	shalt  }
0x76: {  	_ =	shalt  }
0x77: {  	_ =	shalt  }
0x78: {  	_ =	shalt  }
0x79: {  	_ =	shalt  }
0x7a: {  	_ =	shalt  }
0x7b: {  	_ =	shalt  }
0x7c: {  	_ =	shalt  }
0x7d: {  	_ =	shalt  }
0x7e: {  	_ =	shalt  }
0x7f: {  	_ =	shalt  }
0x80: {  	_ =	shalt  }
0x81: {  	_ =	shalt  }
0x82: {  	_ =	shalt  }
0x83: {  	_ =	shalt  }
0x84: {  	_ =	shalt  }
0x85: {  	_ =	shalt  }
0x86: {  	_ =	shalt  }
0x87: {  	_ =	shalt  }
.Lfunc_end0:
.L_simem_size_0:
called_computation_lowered:
.L_overlay_start_0:
0x88: {  	s2 =	sld [smem:$0x3FD9]  }
0x89: {  	s3 =	sld [smem:$0x3FFE];
	_ =	sdelay $0x1  }
0x8a: {  	s1 =	srdreg.scid  }
0x8b: {  	s0 =	sand.u32 $0x1, s1  }
0x8c: {  	s18 =	sshll.u32 s0, $0xA;
	s2 =	sadd.s32 s3, s2  }
0x8d: {  	s2 =	sadd.s32 s2, s18  }
0x8e: {  	[smem:$0x3FC6] =	sst s2  }
0x8f: {  	_ = 	snop  }
0x90: {  	s2 =	sld [smem:$0x3FC9]  }
0x91: {  	s19 =	sld [smem:$0x3FC8]  }
0x92: {  	s4 =	sld [smem:$0x3FD0];
	(tm) =	ssettm $0x1  }
0x93: {  	s5 =	sld [smem:$0x3FFB];
	_ =	sdelay $0x3  }
0x94: {  	_ =	strace s5  }
0x95: {  	s5 =	sld [smem:$0x3FFC];
	_ =	sdelay $0x3  }
0x96: {  	_ =	strace s5  }
0x97: {  	s5 =	sld [smem:$0x3FFD];
	_ =	sdelay $0x3  }
0x98: {  	_ =	strace s5  }
0x99: {  	_ =	strace $0x8FFFFFFF  }
0x9a: {  	s20 =	sld [smem:$0x3FDB];
	_ =	sdelay $0x1  }
0x9b: {  	s6 =	simm.s32 $_scs_section_size  }
0x9c: {  	s7 =	simm.s32 $_size__tile_overlayer_lowered;
	s8 =	simm.s32 $_tile_overlayer_lowered  }
0x9d: {  	s23 =	simm.s32 $0x1BFF;
	s22 =	sshll.u32 s8, $0x1;
	s5 =	sadd.s32 s6, s20  }
0x9e: {  	s9 =	simm.s32 $0x0;
	s21 =	sshll.u32 s7, $0x1;
	s7 =	sadd.s32 s22, s5  }
0x9f: {  	[timem:s9], [sflag:s23] =	dma.local [hbm:s7], s21  }
0xa0: {  	_ =	swait.ge [sflag:s23], s21  }
0xa1: {  	s6 =	ssub.s32 $0x0, s21;
	[sflag:s23] =	ssyncset.done $0x0  }
0xa2: {  	[sflag:s23] =	ssyncadd.s32 s6;
	_ =	sdelay $0x1  }
0xa3: {  	s24 =	simm.s32 $0x1B8B  }
0xa4: {  	_ =	swait.ge [sflag:s24], $0x1  }
0xa5: {  	[sflag:s24] =	ssyncset.done $0x0  }
0xa6: {  	s25 =	simm.s32 $0x1B8E;
	[sflag:s24] =	ssyncadd.s32 $0xFFFFFFFF  }
0xa7: {  	s26 =	simm.s32 $execute0_lowered;
	[smem:$0x3FD2] =	sst s25  }
0xa8: {  	s6 =	sshll.u32 s26, $0x1;
	_ =	strace $0x80000046;
	[dreg:$0x1] =	wrdreg $0xFFFFFFFF  }
0xa9: {  	s28 =	simm.s32 $_size_execute0_lowered;
	s5 =	sadd.s32 s5, s6;
	[dreg:$0x0] =	wrdreg $0x0  }
0xaa: {  	s6 =	sshll.u32 s28, $0x1;
	[dreg:$0x2] =	wrdreg s5  }
0xab: {  	[dreg:$0x3] =	wrdreg s6  }
0xac: {  	[dreg:$0x4] =	wrdreg $0xC0  }
0xad: {  	_ =	task [dreg:s9], $0x5FFFF  }
0xae: {  	[dreg:$0x1] =	wrdreg $0xFFFFFFFF  }
0xaf: {  	[dreg:$0x0] =	wrdreg $0x60  }
0xb0: {  	[dreg:$0x2] =	wrdreg s2  }
0xb1: {  	[dreg:$0x3] =	wrdreg s19  }
0xb2: {  	[dreg:$0x4] =	wrdreg s4  }
0xb3: {  	[dreg:$0x5] =	wrdreg $0x9  }
0xb4: {  	_ =	task.clear_ibuf [dreg:s9], $0x6FFFF;
	_ =	strace $0x90000046  }
0xb5: {  	s29 =	simm.s32 $0x9;
	_ =	strace $0x80000048  }
0xb6: {  	_ =	swait.ge [sflag:s29], $0x1  }
0xb7: {  	[sflag:s29] =	ssyncadd.s32 $0xFFFFFFFF  }
0xb8: {  	_ =	strace $0x90000048  }
0xb9: {  	_ =	sfence  }
0xba: {  	s30 =	sld [smem:$0x0];
	_ =	sdelay $0x2  }
0xbb: {  	s31 =	sshll.u32 s1, $0xD;
	s1 =	sshrl.u32 s1, $0x2  }
0xbc: {  	s3 =	sand.u32 $0x4000, s31;
	s1 =	sadd.s32 s1, s30  }
0xbd: {  	s0 =	sor.u32 s3, s0;
	s1 =	sshll.u32 s1, $0x11  }
0xbe: {  	s0 =	sor.u32 s1, s0  }
0xbf: {  	s0 =	sadd.s32 $0x8F2B, s0  }
0xc0: {  	[sflag:s0] =	ssyncadd.remote.s32 $0x1  }
0xc1: {  	_ =	sfence.sel $0xFFFF  }
0xc2: {  	[dreg:$0x0] =	wrdreg $0xFFFFFFFF;
	(pc) =	sbr.abs _section_cstart, $3  }
0xc3: {  	[dreg:$0x1] =	wrdreg $0xFFFFFFFF  }
0xc4: {  	_ =	task.clear_ibuf [dreg:s9], $0x2FFFF;
	_ =	strace $0x9FFFFFFF  }
0xc5: {  	(tm) =	ssettm $0x7FFFFFFF  }
tec
execute0_lowered:
.L_overlay_start_1:
0x0: {  	(tag) =	ssettag $0x1  }
0x1: {  	s0 =	rddreg [dreg:$0x0]  }
0x2: {  	s2 =	rddreg [dreg:$0x1];
	s1 =	srdreg.scid  }
0x3: {  	s10 =	rddreg [dreg:$0x2];
	s11 =	stileid.u32  }
0x4: {  	s3 =	simm.s32 $0x0;
	s13 =	simm.s32 $0x9;
	s14 =	simm.s32 $0x7000  }
0x5: {  	s16 =	simm.s32 $0xB000;
	s17 =	simm.s32 $0x800;
	s18 =	simm.s32 $0xF000  }
0x6: {  	s19 =	simm.s32 $0xC00;
	s20 =	simm.s32 $0x13000;
	s21 =	simm.s32 $0x1  }
0x7: {  	s22 =	simm.s32 $0x2;
	s23 =	simm.s32 $0x3;
	s24 =	simm.s32 $0x4  }
0x8: {  	s28 =	simm.s32 $0x6;
	s29 =	simm.s32 $0x7;
	s30 =	simm.s32 $0x8  }
0x9: {  	s31 =	simm.s32 $0x0;
	s1 =	sand.u32 $0x1, s1;
	s4 =	sshll.u32 s11, $0xA  }
0xa: {  	[smem:$0x7FF] =	sst s3;
	s26 =	sshll.u32 s11, $0xE;
	s5 =	sshll.u32 s1, $0x9  }
0xb: {  	s6 =	ssub.s32 $0x2, s1;
	_ =	strace $0x80000047;
	s4 =	sor.u32 s5, s4  }
0xc: {  	s1 =	sshll.u32 s1, $0xD;
	s25 =	sshrl.u32 s6, $0x1;
	s7 =	sshll.u32 s4, $0x4  }
0xd: {  	s9 =	ssub.s32 s6, s25;
	s4 =	sadd.s32 s0, s4;
	s0 =	sadd.s32 s26, s10  }
0xe: {  	s25 =	simm.s32 $0x5;
	s26 =	simm.s32 $0x80;
	s8 =	sadd.s32 s7, s10  }
0xf: {  	s9 =	smax.u32 s9, $0x1;
	s10 =	sadd.s32 s1, s0;
	s6 =	sadd.s32 $0xC40800, s8  }
0x10: {  	s5 =	sadd.s32 $0xC40000, s8;
	s7 =	sadd.s32 $0xC41000, s8;
	s8 =	sadd.s32 $0xC41800, s8  }
.LBB2_1:
0x11: {  	s0 =	simm.s32 $0x1000;
	s1 =	simm.s32 $0x20000  }
0x12: {  	[tilespmem:s3], [sflag:$0x9] =	stream.strided.gather [hbm4b:s4+s0], $0x7000, s1, s0, $0x38;
	[tilespmem:$0x17000] =	vst v63  }
0x13: {  	_ =	swait.ge [sflag:s13], $0x7000  }
0x14: {  	[sflag:s13] =	ssyncset.done $0x0  }
0x15: {  	[sflag:s13] =	ssyncadd.s32 $0xFFFF9000  }
0x16: {  	[tilespmem:s14], [sflag:$0x1] =	stream.indirect.gather [hbm4b:s2+s26], $0x80, s3, s26, $0xb8;
	[tilespmem:$0x17000] =	vst v63  }
0x17: {  	s1 =	simm.s32 $0x400  }
0x18: {  	[tilespmem:s16], [sflag:$0x2] =	stream.indirect.gather [hbm4b:s2+s26], $0x80, s1, s26, $0xb8;
	[tilespmem:$0x17000] =	vst v63  }
0x19: {  	_ = 	snop  }
0x1a: {  	[tilespmem:s18], [sflag:$0x3] =	stream.indirect.gather [hbm4b:s2+s26], $0x80, s17, s26, $0xb8;
	[tilespmem:$0x17000] =	vst v63  }
0x1b: {  	_ = 	snop  }
0x1c: {  	[tilespmem:s20], [sflag:$0x4] =	stream.indirect.gather [hbm4b:s2+s26], $0x80, s19, s26, $0xb8;
	[tilespmem:$0x17000] =	vst v63  }
0x1d: {  	_ =	swait.ge [sflag:s21], $0x4000  }
0x1e: {  	[sflag:s21] =	ssyncset.done $0x0  }
0x1f: {  	s11 =	sadd.s32 $0x0, s10;
	[sflag:s21] =	ssyncadd.s32 $0xFFFFC000  }
0x20: {  	[hbm4b:s11+s3] =	stream.linear.scatter [tilespmem:s14], [sflag:$0x5], $0x4000, $0x38;
	[tilespmem:$0x17000] =	vst v63  }
0x21: {  	_ =	swait.ge [sflag:s22], $0x4000  }
0x22: {  	[sflag:s22] =	ssyncset.done $0x0  }
0x23: {  	s12 =	sadd.s32 $0x800, s11;
	[sflag:s22] =	ssyncadd.s32 $0xFFFFC000  }
0x24: {  	[hbm4b:s12+s3] =	stream.linear.scatter [tilespmem:s16], [sflag:$0x6], $0x4000, $0x38;
	[tilespmem:$0x17000] =	vst v63  }
0x25: {  	_ =	swait.ge [sflag:s23], $0x4000  }
0x26: {  	[sflag:s23] =	ssyncset.done $0x0  }
0x27: {  	s15 =	sadd.s32 $0x1000, s11;
	[sflag:s23] =	ssyncadd.s32 $0xFFFFC000  }
0x28: {  	[hbm4b:s15+s3] =	stream.linear.scatter [tilespmem:s18], [sflag:$0x7], $0x4000, $0x38;
	[tilespmem:$0x17000] =	vst v63  }
0x29: {  	_ =	swait.ge [sflag:s24], $0x4000  }
0x2a: {  	[sflag:s24] =	ssyncset.done $0x0  }
0x2b: {  	s0 =	sadd.s32 $0x1800, s11;
	[sflag:s24] =	ssyncadd.s32 $0xFFFFC000  }
0x2c: {  	[hbm4b:s0+s3] =	stream.linear.scatter [tilespmem:s20], [sflag:$0x8], $0x4000, $0x38;
	[tilespmem:$0x17000] =	vst v63  }
0x2d: {  	s11 =	simm.s32 $0x200;
	_ =	swait.ge [sflag:s25], $0x4000  }
0x2e: {  	s12 =	sand.u32 $0x380, s26;
	s0 =	sand.u32 $0xF000, s11;
	[sflag:s25] =	ssyncset.done $0x0  }
0x2f: {  	s11 =	sor.u32 s12, s0;
	[sflag:s25] =	ssyncadd.s32 $0xFFFFC000  }
0x30: {  	[tilespmem:s14], [sflag:$0x1] =	stream.indirect.gather [hbm4b:s2+s26], $0x80, s11, s26, $0xb8;
	[tilespmem:$0x17000] =	vst v63  }
0x31: {  	_ =	swait.ge [sflag:s28], $0x4000  }
0x32: {  	[sflag:s28] =	ssyncset.done $0x0  }
0x33: {  	s0 =	sor.u32 $0x400, s11;
	[sflag:s28] =	ssyncadd.s32 $0xFFFFC000  }
0x34: {  	[tilespmem:s16], [sflag:$0x2] =	stream.indirect.gather [hbm4b:s2+s26], $0x80, s0, s26, $0xb8;
	[tilespmem:$0x17000] =	vst v63  }
0x35: {  	_ =	swait.ge [sflag:s29], $0x4000  }
0x36: {  	[sflag:s29] =	ssyncset.done $0x0  }
0x37: {  	s15 =	sor.u32 $0x800, s11;
	[sflag:s29] =	ssyncadd.s32 $0xFFFFC000  }
0x38: {  	[tilespmem:s18], [sflag:$0x3] =	stream.indirect.gather [hbm4b:s2+s26], $0x80, s15, s26, $0xb8;
	[tilespmem:$0x17000] =	vst v63  }
0x39: {  	_ =	swait.ge [sflag:s30], $0x4000  }
0x3a: {  	s1 =	simm.s32 $0x400;
	s12 =	sor.u32 $0xC00, s11;
	[sflag:s30] =	ssyncset.done $0x0  }
0x3b: {  	s11 =	simm.s32 $0x100;
	s0 =	simm.s32 $0x40000;
	[sflag:s30] =	ssyncadd.s32 $0xFFFFC000  }
.LBB2_2:
0x3c: {  	[tilespmem:s20], [sflag:$0x4] =	stream.indirect.gather [hbm4b:s2+s26], $0x80, s12, s26, $0xb8;
	[tilespmem:$0x17000] =	vst v63  }
0x3d: {  	s12 =	smov.u32 s0  }
0x3e: {  	p0 =	sne.s32 s0, $0xC00000;
	s0 =	sadd.s32 $0x40000, s0;
	_ =	swait.ge [sflag:s21], $0x4000  }
0x3f: {  	[sflag:s21] =	ssyncset.done $0x0  }
0x40: {  	s12 =	sadd.s32 s12, s10;
	[sflag:s21] =	ssyncadd.s32 $0xFFFFC000  }
0x41: {  	[hbm4b:s12+s3] =	stream.linear.scatter [tilespmem:s14], [sflag:$0x5], $0x4000, $0x38;
	[tilespmem:$0x17000] =	vst v63  }
0x42: {  	_ =	swait.ge [sflag:s22], $0x4000  }
0x43: {  	[sflag:s22] =	ssyncset.done $0x0  }
0x44: {  	s15 =	sadd.s32 $0x800, s12;
	[sflag:s22] =	ssyncadd.s32 $0xFFFFC000  }
0x45: {  	[hbm4b:s15+s3] =	stream.linear.scatter [tilespmem:s16], [sflag:$0x6], $0x4000, $0x38;
	[tilespmem:$0x17000] =	vst v63  }
0x46: {  	_ =	swait.ge [sflag:s23], $0x4000  }
0x47: {  	[sflag:s23] =	ssyncset.done $0x0  }
0x48: {  	s15 =	sadd.s32 $0x1000, s12;
	[sflag:s23] =	ssyncadd.s32 $0xFFFFC000  }
0x49: {  	[hbm4b:s15+s3] =	stream.linear.scatter [tilespmem:s18], [sflag:$0x7], $0x4000, $0x38;
	[tilespmem:$0x17000] =	vst v63  }
0x4a: {  	_ =	swait.ge [sflag:s24], $0x4000  }
0x4b: {  	[sflag:s24] =	ssyncset.done $0x0  }
0x4c: {  	s12 =	sadd.s32 $0x1800, s12;
	[sflag:s24] =	ssyncadd.s32 $0xFFFFC000  }
0x4d: {  	[hbm4b:s12+s3] =	stream.linear.scatter [tilespmem:s20], [sflag:$0x8], $0x4000, $0x38;
	[tilespmem:$0x17000] =	vst v63  }
0x4e: {  	_ =	swait.ge [sflag:s25], $0x4000  }
0x4f: {  	s15 =	sand.u32 $0x380, s11;
	s12 =	sand.u32 $0xF000, s1;
	[sflag:s25] =	ssyncset.done $0x0  }
0x50: {  	s12 =	sor.u32 s15, s12;
	[sflag:s25] =	ssyncadd.s32 $0xFFFFC000  }
0x51: {  	[tilespmem:s14], [sflag:$0x1] =	stream.indirect.gather [hbm4b:s2+s26], $0x80, s12, s26, $0xb8;
	[tilespmem:$0x17000] =	vst v63  }
0x52: {  	_ =	swait.ge [sflag:s28], $0x4000  }
0x53: {  	[sflag:s28] =	ssyncset.done $0x0  }
0x54: {  	s15 =	sor.u32 $0x400, s12;
	[sflag:s28] =	ssyncadd.s32 $0xFFFFC000  }
0x55: {  	[tilespmem:s16], [sflag:$0x2] =	stream.indirect.gather [hbm4b:s2+s26], $0x80, s15, s26, $0xb8;
	[tilespmem:$0x17000] =	vst v63  }
0x56: {  	_ =	swait.ge [sflag:s29], $0x4000  }
0x57: {  	[sflag:s29] =	ssyncset.done $0x0  }
.Ltmp0:
0x58: {  	s15 =	sor.u32 $0x800, s12;
	[sflag:s29] =	ssyncadd.s32 $0xFFFFC000;
	(pc) =	sbr.rel @p0 .LBB2_2-.Ltmp0, $4  }
0x59: {  	[tilespmem:s18], [sflag:$0x3] =	stream.indirect.gather [hbm4b:s2+s26], $0x80, s15, s26, $0xb8;
	[tilespmem:$0x17000] =	vst v63  }
0x5a: {  	_ =	swait.ge [sflag:s30], $0x4000  }
0x5b: {  	s1 =	sadd.s32 $0x200, s1;
	[sflag:s30] =	ssyncset.done $0x0  }
0x5c: {  	s11 =	sadd.s32 $0x80, s11;
	s12 =	sor.u32 $0xC00, s12;
	[sflag:s30] =	ssyncadd.s32 $0xFFFFC000  }
0x5d: {  	[tilespmem:s20], [sflag:$0x4] =	stream.indirect.gather [hbm4b:s2+s26], $0x80, s12, s26, $0xb8;
	[tilespmem:$0x17000] =	vst v63  }
0x5e: {  	_ =	swait.ge [sflag:s21], $0x4000  }
0x5f: {  	[sflag:s21] =	ssyncset.done $0x0  }
0x60: {  	[sflag:s21] =	ssyncadd.s32 $0xFFFFC000  }
0x61: {  	[hbm4b:s5+s3] =	stream.linear.scatter [tilespmem:s14], [sflag:$0x5], $0x4000, $0x38;
	[tilespmem:$0x17000] =	vst v63  }
0x62: {  	_ =	swait.ge [sflag:s22], $0x4000  }
0x63: {  	[sflag:s22] =	ssyncset.done $0x0  }
0x64: {  	[sflag:s22] =	ssyncadd.s32 $0xFFFFC000  }
0x65: {  	[hbm4b:s6+s3] =	stream.linear.scatter [tilespmem:s16], [sflag:$0x6], $0x4000, $0x38;
	[tilespmem:$0x17000] =	vst v63  }
0x66: {  	_ =	swait.ge [sflag:s23], $0x4000  }
0x67: {  	[sflag:s23] =	ssyncset.done $0x0  }
0x68: {  	[sflag:s23] =	ssyncadd.s32 $0xFFFFC000  }
0x69: {  	[hbm4b:s7+s3] =	stream.linear.scatter [tilespmem:s18], [sflag:$0x7], $0x4000, $0x38;
	[tilespmem:$0x17000] =	vst v63  }
0x6a: {  	_ =	swait.ge [sflag:s24], $0x4000  }
0x6b: {  	[sflag:s24] =	ssyncset.done $0x0  }
0x6c: {  	[sflag:s24] =	ssyncadd.s32 $0xFFFFC000  }
0x6d: {  	[hbm4b:s8+s3] =	stream.linear.scatter [tilespmem:s20], [sflag:$0x8], $0x4000, $0x38;
	[tilespmem:$0x17000] =	vst v63  }
0x6e: {  	_ =	swait.ge [sflag:s25], $0x4000  }
0x6f: {  	[sflag:s25] =	ssyncset.done $0x0  }
0x70: {  	[sflag:s25] =	ssyncadd.s32 $0xFFFFC000  }
0x71: {  	_ =	swait.ge [sflag:s28], $0x4000  }
0x72: {  	[sflag:s28] =	ssyncset.done $0x0  }
0x73: {  	s31 =	sadd.s32 $0x1, s31;
	[sflag:s28] =	ssyncadd.s32 $0xFFFFC000  }
0x74: {  	p0 =	sne.s32 s31, s9;
	_ =	swait.ge [sflag:s29], $0x4000  }
.Ltmp1:
0x75: {  	[sflag:s29] =	ssyncset.done $0x0;
	(pc) =	sbr.rel @p0 .LBB2_1-.Ltmp1, $4  }
0x76: {  	[sflag:s29] =	ssyncadd.s32 $0xFFFFC000  }
0x77: {  	_ =	swait.ge [sflag:s30], $0x4000  }
0x78: {  	[sflag:s30] =	ssyncset.done $0x0  }
0x79: {  	[sflag:s30] =	ssyncadd.s32 $0xFFFFC000  }
0x7a: {  	_ =	sfence.sel $0x180000  }
0x7b: {  	[bflag:$0x0] =	sbarrier.arrive $0xFFFF  }
0x7c: {  	_ =	strace $0x90000047  }
0x7d: {  	s0 =	stileid.u32;
	[bflag:$0x2] =	sbarrier.arrive $0xFFFF  }
0x7e: {  	p0 =	sne.s32 s0, $0x0;
	s0 =	rddreg [dreg:$0x3]  }
0x7f: {  	s0 =	sadd.s32 @!p0 $0x100000, s0  }
0x80: {  	[sflag:s0] =	ssyncadd.tile.s32 @!p0 $0x1;
	_ =	shalt  }
.Lfunc_end2:
_tile_overlayer_lowered:
.L_overlay_start_2:
0x81: {  	(tag) =	ssettag $0x2  }
0x82: {  	s0 =	rddreg [dreg:$0x0];
	s2 =	stileid.u32  }
0x83: {  	s1 =	rddreg [dreg:$0x1];
	p0 =	sne.s32 s2, $0x0  }
0x84: {  	s3 =	rddreg [dreg:$0x2];
	[bflag:$0x3] =	sbarrier.arrive $0xFFFF;
	s2 =	simm.s32 @!p0 $0x1C09  }
0x85: {  	[timem:s3], [sflag:s2] =	dma.local @!p0 [hbm:s0], s1  }
0x86: {  	s0 =	simm.s32 @!p0 $0x9  }
0x87: {  	_ =	swait.ge @!p0 [sflag:s0], s1  }
0x88: {  	s1 =	ssub.s32 @!p0 $0x0, s1;
	[sflag:s0] =	ssyncset.done @!p0 $0x0  }
0x89: {  	[sflag:s0] =	ssyncadd.s32 @!p0 s1  }
0x8a: {  	[bflag:$0x3] =	sbarrier.arrive $0xFFFF  }
0x8b: {  	_ =	shalt  }

</sc_bundles>
